<compile_context>
chip_gen: v7x
topology: tpu7x:2x2x1
jax: 0.10.2.dev20260603
libtpu: 0.0.44.dev20260713+nightly
codegen_flags: <defaults>
</compile_context>

<pallas_src>
import dataclasses

import jax
import jax.numpy as jnp
from jax import lax
from jax.experimental import pallas as pl
from jax.experimental.pallas import tpu as pltpu
from jax.experimental.pallas import tpu_sc as plsc

_D = 100
_R = 32
_DP = 128
_BA = 20
_W = 512
_L = 16


def _table_body(c0_ref, c1f_ref, c2m_ref, t_ref):
    ba = c0_ref.shape[0]
    c0 = c0_ref[...].astype(jnp.bfloat16).reshape(ba * _R, _R)
    p = jnp.dot(
        c0, c1f_ref[...].astype(jnp.bfloat16), preferred_element_type=jnp.float32
    )
    p = p.astype(jnp.bfloat16).reshape(ba, _R, _R * _DP)
    pt = p.transpose(0, 2, 1)
    acc = jnp.zeros((ba * _DP, _DP), jnp.float32)
    for o in range(_R // 8):
        lhs = jnp.concatenate(
            [pt[:, (8 * o + m) * _DP:(8 * o + m + 1) * _DP, :] for m in range(8)],
            axis=2,
        ).reshape(ba * _DP, 8 * _R)
        acc = acc + jnp.dot(
            lhs, c2m_ref[8 * _R * o:8 * _R * (o + 1), :].astype(jnp.bfloat16),
            preferred_element_type=jnp.float32,
        )
    t_ref[...] = acc


def _build_table(c0, c1f, c2m):
    return pl.pallas_call(
        _table_body,
        grid=(_D // _BA,),
        in_specs=[
            pl.BlockSpec((_BA, _R, _R), lambda g: (g, 0, 0)),
            pl.BlockSpec((_R, _R * _DP), lambda g: (0, 0)),
            pl.BlockSpec((_R * _R, _DP), lambda g: (0, 0)),
        ],
        out_specs=pl.BlockSpec((_BA * _DP, _DP), lambda g: (g, 0)),
        out_shape=jax.ShapeDtypeStruct((_D * _DP, _DP), jnp.float32),
    )(c0, c1f, c2m)


def _gather_table(t2, idx):
    b = idx.shape[0]
    mesh = plsc.VectorSubcoreMesh(core_axis_name="c", subcore_axis_name="s")
    cp = pltpu.CompilerParams()
    if "needs_layout_passes" in pltpu.CompilerParams.__dataclass_fields__:
        cp = dataclasses.replace(cp, needs_layout_passes=False)

    @pl.kernel(
        out_type=jax.ShapeDtypeStruct((b,), jnp.float32),
        mesh=mesh,
        scratch_types=[
            pltpu.VMEM((1, _W), jnp.int32),
            pltpu.VMEM((_W, _DP), jnp.float32),
        ],
        compiler_params=cp,
    )
    def k(t_hbm, i0_hbm, i1_hbm, i2_hbm, o_hbm, flat_ref, rows_ref):
        def body(i0_v, i1_v, i2_v, o_v):
            @pl.loop(0, _W, step=_L)
            def _(c):
                s = (0, pl.ds(c, _L))
                flat_ref.at[*s][...] = i0_v.at[*s][...] * _DP + i1_v.at[*s][...]
            pltpu.sync_copy(t_hbm.at[flat_ref.at[0]], rows_ref)

            @pl.loop(0, _W, step=_L)
            def _(c):
                rows16 = lax.iota(jnp.int32, _L) + c
                o_v.at[pl.ds(c, _L)][...] = plsc.load_gather(
                    rows_ref, [rows16, i2_v.at[0, pl.ds(c, _L)][...]]
                )

        pltpu.emit_pipeline(
            body,
            grid=(b // _W,),
            in_specs=[pl.BlockSpec((1, _W), lambda i: (0, i))] * 3,
            out_specs=[pl.BlockSpec((_W,), lambda i: (i,))],
            core_axis_name=("c", "s"),
            dimension_semantics=(pltpu.PARALLEL,),
        )(i0_hbm, i1_hbm, i2_hbm, o_hbm)

    return k(t2, idx[:, 0].reshape(1, -1), idx[:, 1].reshape(1, -1),
             idx[:, 2].reshape(1, -1))


def kernel(index, core0, core1, core2):
    c1f = jnp.pad(
        core1.transpose(1, 2, 0), ((0, 0), (0, 0), (0, _DP - _D))
    ).reshape(_R, _R * _DP)
    c2m = core2.transpose(1, 2, 0).reshape(_R * _R, _D)
    c2m = jnp.pad(c2m, ((0, 0), (0, _DP - _D)))
    t2 = _build_table(core0, c1f, c2m)
    return _gather_table(t2, index.astype(jnp.int32))

# --- scband reference (transcript-rebuilt; emitter-appended) ---
"""Pipeline reference for scband-tensor-ring-81303730913634 (READ-ONLY COPY).

The authoritative reference and input builder live on the scoring server;
editing this copy changes nothing except your own understanding.
"""

import jax, jax.numpy as jnp
import numpy as np

DIMS = [100, 100, 100]
RANK = [32, 32, 32]
BATCH = 16384


def setup_inputs(seed: int = 0) -> dict:
    key = jax.random.key(seed)
    k_idx, k0, k1, k2 = jax.random.split(key, 4)
    index = jax.random.randint(k_idx, (BATCH, len(DIMS)), 0, 100)
    # cores[d] has shape (dims[d], rank[d-1], rank[d]); init method 'rand' -> U(0, 0.2)
    core0 = jax.random.uniform(k0, (DIMS[0], RANK[-1], RANK[0]), minval=0.0, maxval=0.2, dtype=jnp.float32)
    core1 = jax.random.uniform(k1, (DIMS[1], RANK[0], RANK[1]), minval=0.0, maxval=0.2, dtype=jnp.float32)
    core2 = jax.random.uniform(k2, (DIMS[2], RANK[1], RANK[2]), minval=0.0, maxval=0.2, dtype=jnp.float32)
    return {"index": index, "core0": core0, "core1": core1, "core2": core2}


def reference(index, core0, core1, core2):
    # full_tr_idx: for each row b, take trace( prod_d cores[d][index[b, d]] )
    cores = [core0, core1, core2]
    G = jnp.take(cores[0], index[:, 0], axis=0)  # [B, r_{-1}, r_0]
    for d in range(1, len(cores)):
        Gd = jnp.take(cores[d], index[:, d], axis=0)  # [B, r_{d-1}, r_d]
        G = jnp.einsum('bij,bjk->bik', G, Gd)
    # trace over the two ring dimensions -> scalar per batch element
    return jnp.trace(G, axis1=1, axis2=2)

if __name__ == "__main__":
    import jax
    _d = setup_inputs()
    print(jax.jit(kernel)(*tuple(_d.values())))

</pallas_src>

<mosaic_0001>
#map = affine_map<(d0, d1) -> (0, 0)>
#map1 = affine_map<(d0, d1) -> (0)>
module attributes {stable_mosaic.version = 14 : i64} {
  func.func @k(%arg0: i32, %arg1: i32, %arg2: memref<12800x128xf32, #tpu.memory_space<hbm>>, %arg3: memref<1x16384xi32, #tpu.memory_space<hbm>>, %arg4: memref<1x16384xi32, #tpu.memory_space<hbm>>, %arg5: memref<1x16384xi32, #tpu.memory_space<hbm>>, %arg6: memref<16384xf32, #tpu.memory_space<hbm>>, %arg7: memref<1x512xi32, #tpu.memory_space<vmem>>, %arg8: memref<512x128xf32, #tpu.memory_space<vmem>>) attributes {dimension_semantics = [#tpu.dimension_semantics<core_parallel>, #tpu.dimension_semantics<subcore_parallel>], iteration_bounds = array<i64: 2, 16>, scalar_prefetch = 0 : i64, scratch_operands = 2 : i64, tpu.core_type = #tpu.core_type<sc_vector_subcore>, window_params = [{transform_indices = #map}, {transform_indices = #map}, {transform_indices = #map}, {transform_indices = #map}, {transform_indices = #map1}]} {
    %mul3A = arith.constant 1 : i32
    %mul3A_0 = arith.muli %arg1, %mul3A : i32
    %add3A = arith.constant 0 : i32
    %add3A_1 = arith.addi %add3A, %mul3A_0 : i32
    %mul3A_2 = arith.constant 16 : i32
    %mul3A_3 = arith.muli %arg0, %mul3A_2 : i32
    %add3A_4 = arith.addi %add3A_1, %mul3A_3 : i32
    %mul3A_5 = arith.constant 1 : i32
    %mul3A_6 = arith.muli %add3A_4, %mul3A_5 : i32
    "tpu.region"() ({
      %run_scoped3A = memref.alloca() : memref<2x1x512xi32, #tpu.memory_space<vmem>>
      %run_scoped3A_7 = tpu.sem_alloc : memref<2x!tpu.dma_semaphore, #tpu.memory_space<semaphore_mem>>
      %run_scoped3A_8 = memref.alloca() : memref<2x1x512xi32, #tpu.memory_space<vmem>>
      %run_scoped3A_9 = tpu.sem_alloc : memref<2x!tpu.dma_semaphore, #tpu.memory_space<semaphore_mem>>
      %run_scoped3A_10 = memref.alloca() : memref<2x1x512xi32, #tpu.memory_space<vmem>>
      %run_scoped3A_11 = tpu.sem_alloc : memref<2x!tpu.dma_semaphore, #tpu.memory_space<semaphore_mem>>
      %run_scoped3A_12 = memref.alloca() : memref<1024xf32, #tpu.memory_space<vmem>>
      %run_scoped3A_13 = tpu.sem_alloc : memref<2x!tpu.dma_semaphore, #tpu.memory_space<semaphore_mem>>
      %add3A_14 = arith.constant 0 : i32
      %add3A_15 = arith.addi %add3A_14, %mul3A_6 : i32
      %select_n3A = arith.constant true
      %select_n3A_16 = arith.constant 0 : i32
      %select_n3A_17 = arith.constant -1 : i32
      %select_n3A_18 = arith.select %select_n3A, %select_n3A_17, %select_n3A_16 : i32
      %eq3A = arith.constant -1 : i32
      %eq3A_19 = arith.cmpi eq, %select_n3A_18, %eq3A : i32
      %select_n3A_20 = arith.constant 0 : i32
      %select_n3A_21 = arith.select %eq3A_19, %select_n3A_20, %select_n3A_18 : i32
      %add3A_22 = arith.constant 0 : i32
      %add3A_23 = arith.addi %add3A_22, %mul3A_6 : i32
      %select_n3A_24 = arith.constant true
      %select_n3A_25 = arith.constant 0 : i32
      %select_n3A_26 = arith.constant 1 : i32
      %select_n3A_27 = arith.select %select_n3A_24, %select_n3A_26, %select_n3A_25 : i32
      %eq3A_28 = arith.constant 1 : i32
      %eq3A_29 = arith.cmpi eq, %select_n3A_27, %eq3A_28 : i32
      %select_n3A_30 = arith.constant 0 : i32
      %select_n3A_31 = arith.select %eq3A_29, %select_n3A_30, %select_n3A_27 : i32
      %add3A_32 = arith.constant 0 : i32
      %add3A_33 = arith.addi %add3A_32, %mul3A_6 : i32
      %select_n3A_34 = arith.constant true
      %select_n3A_35 = arith.constant 0 : i32
      %select_n3A_36 = arith.constant 1 : i32
      %select_n3A_37 = arith.select %select_n3A_34, %select_n3A_36, %select_n3A_35 : i32
      %eq3A_38 = arith.constant 1 : i32
      %eq3A_39 = arith.cmpi eq, %select_n3A_37, %eq3A_38 : i32
      %select_n3A_40 = arith.constant 0 : i32
      %select_n3A_41 = arith.select %eq3A_39, %select_n3A_40, %select_n3A_37 : i32
      %add3A_42 = arith.constant 0 : i32
      %add3A_43 = arith.addi %add3A_42, %mul3A_6 : i32
      "tpu.trace_start"() <{level = 10 : i32, message = "ep_initialize_0"}> : () -> ()
      %rem3A = arith.constant 0 : i32
      %rem3A_44 = arith.constant 2 : i32
      %rem3A_45 = arith.remui %rem3A, %rem3A_44 : i32
      %mul3A_46 = arith.constant 512 : i32
      %mul3A_47 = arith.muli %mul3A_46, %add3A_15 : i32
      %dma_start3A = arith.constant 0 : i32
      %dma_start3A_48 = arith.constant 0 : i32
      %dma_start3A_49 = tpu.memref_slice %run_scoped3A[%rem3A_45, %dma_start3A, %dma_start3A_48] : memref<2x1x512xi32, #tpu.memory_space<vmem>> -> memref<1x1x512xi32, #tpu.memory_space<vmem>>
      %dma_start3A_50 = tpu.memref_squeeze %dma_start3A_49 : memref<1x1x512xi32, #tpu.memory_space<vmem>> -> memref<1x512xi32, #tpu.memory_space<vmem>>
      %dma_start3A_51 = arith.constant 0 : i32
      %dma_start3A_52 = tpu.memref_slice %arg3[%dma_start3A_51, %mul3A_47] : memref<1x16384xi32, #tpu.memory_space<hbm>> -> memref<1x512xi32, #tpu.memory_space<hbm>>
      %dma_start3A_53 = tpu.memref_slice %run_scoped3A_7[%rem3A_45] : memref<2x!tpu.dma_semaphore, #tpu.memory_space<semaphore_mem>> -> memref<1x!tpu.dma_semaphore, #tpu.memory_space<semaphore_mem>>
      %dma_start3A_54 = tpu.memref_squeeze %dma_start3A_53 : memref<1x!tpu.dma_semaphore, #tpu.memory_space<semaphore_mem>> -> memref<!tpu.dma_semaphore, #tpu.memory_space<semaphore_mem>>
      %dma_start3A_55 = arith.constant 0 : i32
      %dma_start3A_56 = arith.constant 0 : i32
      %dma_start3A_57 = tpu.memref_slice %run_scoped3A[%rem3A_45, %dma_start3A_55, %dma_start3A_56] : memref<2x1x512xi32, #tpu.memory_space<vmem>> -> memref<1x1x512xi32, #tpu.memory_space<vmem>>
      %dma_start3A_58 = tpu.memref_squeeze %dma_start3A_57 : memref<1x1x512xi32, #tpu.memory_space<vmem>> -> memref<1x512xi32, #tpu.memory_space<vmem>>
      %dma_start3A_59 = arith.constant 0 : i32
      %dma_start3A_60 = tpu.memref_slice %arg3[%dma_start3A_59, %mul3A_47] : memref<1x16384xi32, #tpu.memory_space<hbm>> -> memref<1x512xi32, #tpu.memory_space<hbm>>
      tpu.enqueue_dma source(%dma_start3A_60 : memref<1x512xi32, #tpu.memory_space<hbm>>) target(%dma_start3A_58 : memref<1x512xi32, #tpu.memory_space<vmem>>) target_semaphore(%dma_start3A_54 : memref<!tpu.dma_semaphore, #tpu.memory_space<semaphore_mem>>)
      %add3A_61 = arith.constant 0 : i32
      %add3A_62 = arith.constant 1 : i32
      %add3A_63 = arith.addi %add3A_61, %add3A_62 : i32
      %select_n3A_64 = arith.constant true
      %select_n3A_65 = arith.constant 0 : i32
      %select_n3A_66 = arith.select %select_n3A_64, %add3A_63, %select_n3A_65 : i32
      %rem3A_67 = arith.constant 0 : i32
      %rem3A_68 = arith.constant 2 : i32
      %rem3A_69 = arith.remui %rem3A_67, %rem3A_68 : i32
      %mul3A_70 = arith.constant 512 : i32
      %mul3A_71 = arith.muli %mul3A_70, %add3A_15 : i32
      %dma_start3A_72 = arith.constant 0 : i32
      %dma_start3A_73 = arith.constant 0 : i32
      %dma_start3A_74 = tpu.memref_slice %run_scoped3A_8[%rem3A_69, %dma_start3A_72, %dma_start3A_73] : memref<2x1x512xi32, #tpu.memory_space<vmem>> -> memref<1x1x512xi32, #tpu.memory_space<vmem>>
      %dma_start3A_75 = tpu.memref_squeeze %dma_start3A_74 : memref<1x1x512xi32, #tpu.memory_space<vmem>> -> memref<1x512xi32, #tpu.memory_space<vmem>>
      %dma_start3A_76 = arith.constant 0 : i32
      %dma_start3A_77 = tpu.memref_slice %arg4[%dma_start3A_76, %mul3A_71] : memref<1x16384xi32, #tpu.memory_space<hbm>> -> memref<1x512xi32, #tpu.memory_space<hbm>>
      %dma_start3A_78 = tpu.memref_slice %run_scoped3A_9[%rem3A_69] : memref<2x!tpu.dma_semaphore, #tpu.memory_space<semaphore_mem>> -> memref<1x!tpu.dma_semaphore, #tpu.memory_space<semaphore_mem>>
      %dma_start3A_79 = tpu.memref_squeeze %dma_start3A_78 : memref<1x!tpu.dma_semaphore, #tpu.memory_space<semaphore_mem>> -> memref<!tpu.dma_semaphore, #tpu.memory_space<semaphore_mem>>
      %dma_start3A_80 = arith.constant 0 : i32
      %dma_start3A_81 = arith.constant 0 : i32
      %dma_start3A_82 = tpu.memref_slice %run_scoped3A_8[%rem3A_69, %dma_start3A_80, %dma_start3A_81] : memref<2x1x512xi32, #tpu.memory_space<vmem>> -> memref<1x1x512xi32, #tpu.memory_space<vmem>>
      %dma_start3A_83 = tpu.memref_squeeze %dma_start3A_82 : memref<1x1x512xi32, #tpu.memory_space<vmem>> -> memref<1x512xi32, #tpu.memory_space<vmem>>
      %dma_start3A_84 = arith.constant 0 : i32
      %dma_start3A_85 = tpu.memref_slice %arg4[%dma_start3A_84, %mul3A_71] : memref<1x16384xi32, #tpu.memory_space<hbm>> -> memref<1x512xi32, #tpu.memory_space<hbm>>
      tpu.enqueue_dma source(%dma_start3A_85 : memref<1x512xi32, #tpu.memory_space<hbm>>) target(%dma_start3A_83 : memref<1x512xi32, #tpu.memory_space<vmem>>) target_semaphore(%dma_start3A_79 : memref<!tpu.dma_semaphore, #tpu.memory_space<semaphore_mem>>)
      %add3A_86 = arith.constant 0 : i32
      %add3A_87 = arith.constant 1 : i32
      %add3A_88 = arith.addi %add3A_86, %add3A_87 : i32
      %select_n3A_89 = arith.constant true
      %select_n3A_90 = arith.constant 0 : i32
      %select_n3A_91 = arith.select %select_n3A_89, %add3A_88, %select_n3A_90 : i32
      %rem3A_92 = arith.constant 0 : i32
      %rem3A_93 = arith.constant 2 : i32
      %rem3A_94 = arith.remui %rem3A_92, %rem3A_93 : i32
      %mul3A_95 = arith.constant 512 : i32
      %mul3A_96 = arith.muli %mul3A_95, %add3A_15 : i32
      %dma_start3A_97 = arith.constant 0 : i32
      %dma_start3A_98 = arith.constant 0 : i32
      %dma_start3A_99 = tpu.memref_slice %run_scoped3A_10[%rem3A_94, %dma_start3A_97, %dma_start3A_98] : memref<2x1x512xi32, #tpu.memory_space<vmem>> -> memref<1x1x512xi32, #tpu.memory_space<vmem>>
      %dma_start3A_100 = tpu.memref_squeeze %dma_start3A_99 : memref<1x1x512xi32, #tpu.memory_space<vmem>> -> memref<1x512xi32, #tpu.memory_space<vmem>>
      %dma_start3A_101 = arith.constant 0 : i32
      %dma_start3A_102 = tpu.memref_slice %arg5[%dma_start3A_101, %mul3A_96] : memref<1x16384xi32, #tpu.memory_space<hbm>> -> memref<1x512xi32, #tpu.memory_space<hbm>>
      %dma_start3A_103 = tpu.memref_slice %run_scoped3A_11[%rem3A_94] : memref<2x!tpu.dma_semaphore, #tpu.memory_space<semaphore_mem>> -> memref<1x!tpu.dma_semaphore, #tpu.memory_space<semaphore_mem>>
      %dma_start3A_104 = tpu.memref_squeeze %dma_start3A_103 : memref<1x!tpu.dma_semaphore, #tpu.memory_space<semaphore_mem>> -> memref<!tpu.dma_semaphore, #tpu.memory_space<semaphore_mem>>
      %dma_start3A_105 = arith.constant 0 : i32
      %dma_start3A_106 = arith.constant 0 : i32
      %dma_start3A_107 = tpu.memref_slice %run_scoped3A_10[%rem3A_94, %dma_start3A_105, %dma_start3A_106] : memref<2x1x512xi32, #tpu.memory_space<vmem>> -> memref<1x1x512xi32, #tpu.memory_space<vmem>>
      %dma_start3A_108 = tpu.memref_squeeze %dma_start3A_107 : memref<1x1x512xi32, #tpu.memory_space<vmem>> -> memref<1x512xi32, #tpu.memory_space<vmem>>
      %dma_start3A_109 = arith.constant 0 : i32
      %dma_start3A_110 = tpu.memref_slice %arg5[%dma_start3A_109, %mul3A_96] : memref<1x16384xi32, #tpu.memory_space<hbm>> -> memref<1x512xi32, #tpu.memory_space<hbm>>
      tpu.enqueue_dma source(%dma_start3A_110 : memref<1x512xi32, #tpu.memory_space<hbm>>) target(%dma_start3A_108 : memref<1x512xi32, #tpu.memory_space<vmem>>) target_semaphore(%dma_start3A_104 : memref<!tpu.dma_semaphore, #tpu.memory_space<semaphore_mem>>)
      %add3A_111 = arith.constant 0 : i32
      %add3A_112 = arith.constant 1 : i32
      %add3A_113 = arith.addi %add3A_111, %add3A_112 : i32
      %select_n3A_114 = arith.constant true
      %select_n3A_115 = arith.constant 0 : i32
      %select_n3A_116 = arith.select %select_n3A_114, %add3A_113, %select_n3A_115 : i32
      "tpu.trace_stop"() : () -> ()
      %scan3A = arith.constant 0 : i32
      %scan3A_117 = arith.constant 0 : i32
      %scan3A_118 = arith.constant 0 : i32
      %scan3A_119 = arith.constant 0 : i32
      %scan3A_120 = arith.constant 0 : i32
      %scan3A_121 = arith.constant 0 : i32
      %scan3A_122 = arith.constant 0 : i32
      %eq3A_123 = arith.constant 0 : i32
      %eq3A_124 = arith.cmpi eq, %scan3A_122, %eq3A_123 : i32
      %eq3A_125 = arith.constant 0 : i32
      %eq3A_126 = arith.cmpi eq, %scan3A_122, %eq3A_125 : i32
      %add3A_127 = arith.constant 0 : i32
      %add3A_128 = arith.addi %add3A_127, %mul3A_6 : i32
      %select_n3A_129 = arith.constant true
      %select_n3A_130 = arith.constant 0 : i32
      %select_n3A_131 = arith.constant -1 : i32
      %select_n3A_132 = arith.select %select_n3A_129, %select_n3A_131, %select_n3A_130 : i32
      %eq3A_133 = arith.constant -1 : i32
      %eq3A_134 = arith.cmpi eq, %select_n3A_132, %eq3A_133 : i32
      %select_n3A_135 = arith.constant 0 : i32
      %select_n3A_136 = arith.select %eq3A_134, %select_n3A_135, %select_n3A_132 : i32
      %add3A_137 = arith.constant 0 : i32
      %add3A_138 = arith.addi %add3A_137, %mul3A_6 : i32
      %select_n3A_139 = arith.constant true
      %select_n3A_140 = arith.constant 0 : i32
      %select_n3A_141 = arith.constant 1 : i32
      %select_n3A_142 = arith.select %select_n3A_139, %select_n3A_141, %select_n3A_140 : i32
      %eq3A_143 = arith.constant 1 : i32
      %eq3A_144 = arith.cmpi eq, %select_n3A_142, %eq3A_143 : i32
      %select_n3A_145 = arith.constant 0 : i32
      %select_n3A_146 = arith.select %eq3A_144, %select_n3A_145, %select_n3A_142 : i32
      %add3A_147 = arith.constant 0 : i32
      %add3A_148 = arith.addi %add3A_147, %mul3A_6 : i32
      %select_n3A_149 = arith.constant true
      %select_n3A_150 = arith.constant 0 : i32
      %select_n3A_151 = arith.constant 1 : i32
      %select_n3A_152 = arith.select %select_n3A_149, %select_n3A_151, %select_n3A_150 : i32
      %eq3A_153 = arith.constant 1 : i32
      %eq3A_154 = arith.cmpi eq, %select_n3A_152, %eq3A_153 : i32
      %select_n3A_155 = arith.constant 0 : i32
      %select_n3A_156 = arith.select %eq3A_154, %select_n3A_155, %select_n3A_152 : i32
      %add3A_157 = arith.constant 0 : i32
      %add3A_158 = arith.addi %add3A_157, %mul3A_6 : i32
      %ne3A = arith.cmpi ne, %add3A_128, %add3A_148 : i32
      %or3A = arith.constant false
      %or3A_159 = arith.ori %or3A, %ne3A : i1
      %ge3A = arith.constant 0 : i32
      %ge3A_160 = arith.cmpi sge, %scan3A_122, %ge3A : i32
      %not3A = arith.constant true
      %not3A_161 = arith.xori %ge3A_160, %not3A : i1
      %and3A = arith.andi %or3A_159, %not3A_161 : i1
      %convert_element_type3A = arith.extui %and3A : i1 to i32
      %cond3A = arith.constant 0 : i32
      %cond3A_162 = arith.cmpi ne, %convert_element_type3A, %cond3A : i32
      scf.if %cond3A_162 {
        "tpu.trace_start"() <{level = 10 : i32, message = "ep_copy_in"}> : () -> ()
        %rem3A_426 = arith.constant 2 : i32
        %rem3A_427 = arith.remui %select_n3A_66, %rem3A_426 : i32
        %mul3A_428 = arith.constant 512 : i32
        %mul3A_429 = arith.muli %mul3A_428, %add3A_148 : i32
        %dma_start3A_430 = arith.constant 0 : i32
        %dma_start3A_431 = arith.constant 0 : i32
        %dma_start3A_432 = tpu.memref_slice %run_scoped3A[%rem3A_427, %dma_start3A_430, %dma_start3A_431] : memref<2x1x512xi32, #tpu.memory_space<vmem>> -> memref<1x1x512xi32, #tpu.memory_space<vmem>>
        %dma_start3A_433 = tpu.memref_squeeze %dma_start3A_432 : memref<1x1x512xi32, #tpu.memory_space<vmem>> -> memref<1x512xi32, #tpu.memory_space<vmem>>
        %dma_start3A_434 = arith.constant 0 : i32
        %dma_start3A_435 = tpu.memref_slice %arg3[%dma_start3A_434, %mul3A_429] : memref<1x16384xi32, #tpu.memory_space<hbm>> -> memref<1x512xi32, #tpu.memory_space<hbm>>
        %dma_start3A_436 = tpu.memref_slice %run_scoped3A_7[%rem3A_427] : memref<2x!tpu.dma_semaphore, #tpu.memory_space<semaphore_mem>> -> memref<1x!tpu.dma_semaphore, #tpu.memory_space<semaphore_mem>>
        %dma_start3A_437 = tpu.memref_squeeze %dma_start3A_436 : memref<1x!tpu.dma_semaphore, #tpu.memory_space<semaphore_mem>> -> memref<!tpu.dma_semaphore, #tpu.memory_space<semaphore_mem>>
        %dma_start3A_438 = arith.constant 0 : i32
        %dma_start3A_439 = arith.constant 0 : i32
        %dma_start3A_440 = tpu.memref_slice %run_scoped3A[%rem3A_427, %dma_start3A_438, %dma_start3A_439] : memref<2x1x512xi32, #tpu.memory_space<vmem>> -> memref<1x1x512xi32, #tpu.memory_space<vmem>>
        %dma_start3A_441 = tpu.memref_squeeze %dma_start3A_440 : memref<1x1x512xi32, #tpu.memory_space<vmem>> -> memref<1x512xi32, #tpu.memory_space<vmem>>
        %dma_start3A_442 = arith.constant 0 : i32
        %dma_start3A_443 = tpu.memref_slice %arg3[%dma_start3A_442, %mul3A_429] : memref<1x16384xi32, #tpu.memory_space<hbm>> -> memref<1x512xi32, #tpu.memory_space<hbm>>
        tpu.enqueue_dma source(%dma_start3A_443 : memref<1x512xi32, #tpu.memory_space<hbm>>) target(%dma_start3A_441 : memref<1x512xi32, #tpu.memory_space<vmem>>) target_semaphore(%dma_start3A_437 : memref<!tpu.dma_semaphore, #tpu.memory_space<semaphore_mem>>)
        "tpu.trace_stop"() : () -> ()
      } else {
      }
      %and3A_163 = arith.constant true
      %and3A_164 = arith.andi %and3A, %and3A_163 : i1
      %add3A_165 = arith.constant 1 : i32
      %add3A_166 = arith.addi %select_n3A_66, %add3A_165 : i32
      %select_n3A_167 = arith.select %and3A_164, %add3A_166, %select_n3A_66 : i32
      %ne3A_168 = arith.cmpi ne, %add3A_128, %add3A_148 : i32
      %or3A_169 = arith.constant false
      %or3A_170 = arith.ori %or3A_169, %ne3A_168 : i1
      %ge3A_171 = arith.constant 0 : i32
      %ge3A_172 = arith.cmpi sge, %scan3A_122, %ge3A_171 : i32
      %not3A_173 = arith.constant true
      %not3A_174 = arith.xori %ge3A_172, %not3A_173 : i1
      %and3A_175 = arith.andi %or3A_170, %not3A_174 : i1
      %convert_element_type3A_176 = arith.extui %and3A_175 : i1 to i32
      %cond3A_177 = arith.constant 0 : i32
      %cond3A_178 = arith.cmpi ne, %convert_element_type3A_176, %cond3A_177 : i32
      scf.if %cond3A_178 {
        "tpu.trace_start"() <{level = 10 : i32, message = "ep_copy_in"}> : () -> ()
        %rem3A_426 = arith.constant 2 : i32
        %rem3A_427 = arith.remui %select_n3A_91, %rem3A_426 : i32
        %mul3A_428 = arith.constant 512 : i32
        %mul3A_429 = arith.muli %mul3A_428, %add3A_148 : i32
        %dma_start3A_430 = arith.constant 0 : i32
        %dma_start3A_431 = arith.constant 0 : i32
        %dma_start3A_432 = tpu.memref_slice %run_scoped3A_8[%rem3A_427, %dma_start3A_430, %dma_start3A_431] : memref<2x1x512xi32, #tpu.memory_space<vmem>> -> memref<1x1x512xi32, #tpu.memory_space<vmem>>
        %dma_start3A_433 = tpu.memref_squeeze %dma_start3A_432 : memref<1x1x512xi32, #tpu.memory_space<vmem>> -> memref<1x512xi32, #tpu.memory_space<vmem>>
        %dma_start3A_434 = arith.constant 0 : i32
        %dma_start3A_435 = tpu.memref_slice %arg4[%dma_start3A_434, %mul3A_429] : memref<1x16384xi32, #tpu.memory_space<hbm>> -> memref<1x512xi32, #tpu.memory_space<hbm>>
        %dma_start3A_436 = tpu.memref_slice %run_scoped3A_9[%rem3A_427] : memref<2x!tpu.dma_semaphore, #tpu.memory_space<semaphore_mem>> -> memref<1x!tpu.dma_semaphore, #tpu.memory_space<semaphore_mem>>
        %dma_start3A_437 = tpu.memref_squeeze %dma_start3A_436 : memref<1x!tpu.dma_semaphore, #tpu.memory_space<semaphore_mem>> -> memref<!tpu.dma_semaphore, #tpu.memory_space<semaphore_mem>>
        %dma_start3A_438 = arith.constant 0 : i32
        %dma_start3A_439 = arith.constant 0 : i32
        %dma_start3A_440 = tpu.memref_slice %run_scoped3A_8[%rem3A_427, %dma_start3A_438, %dma_start3A_439] : memref<2x1x512xi32, #tpu.memory_space<vmem>> -> memref<1x1x512xi32, #tpu.memory_space<vmem>>
        %dma_start3A_441 = tpu.memref_squeeze %dma_start3A_440 : memref<1x1x512xi32, #tpu.memory_space<vmem>> -> memref<1x512xi32, #tpu.memory_space<vmem>>
        %dma_start3A_442 = arith.constant 0 : i32
        %dma_start3A_443 = tpu.memref_slice %arg4[%dma_start3A_442, %mul3A_429] : memref<1x16384xi32, #tpu.memory_space<hbm>> -> memref<1x512xi32, #tpu.memory_space<hbm>>
        tpu.enqueue_dma source(%dma_start3A_443 : memref<1x512xi32, #tpu.memory_space<hbm>>) target(%dma_start3A_441 : memref<1x512xi32, #tpu.memory_space<vmem>>) target_semaphore(%dma_start3A_437 : memref<!tpu.dma_semaphore, #tpu.memory_space<semaphore_mem>>)
        "tpu.trace_stop"() : () -> ()
      } else {
      }
      %and3A_179 = arith.constant true
      %and3A_180 = arith.andi %and3A_175, %and3A_179 : i1
      %add3A_181 = arith.constant 1 : i32
      %add3A_182 = arith.addi %select_n3A_91, %add3A_181 : i32
      %select_n3A_183 = arith.select %and3A_180, %add3A_182, %select_n3A_91 : i32
      %ne3A_184 = arith.cmpi ne, %add3A_128, %add3A_148 : i32
      %or3A_185 = arith.constant false
      %or3A_186 = arith.ori %or3A_185, %ne3A_184 : i1
      %ge3A_187 = arith.constant 0 : i32
      %ge3A_188 = arith.cmpi sge, %scan3A_122, %ge3A_187 : i32
      %not3A_189 = arith.constant true
      %not3A_190 = arith.xori %ge3A_188, %not3A_189 : i1
      %and3A_191 = arith.andi %or3A_186, %not3A_190 : i1
      %convert_element_type3A_192 = arith.extui %and3A_191 : i1 to i32
      %cond3A_193 = arith.constant 0 : i32
      %cond3A_194 = arith.cmpi ne, %convert_element_type3A_192, %cond3A_193 : i32
      scf.if %cond3A_194 {
        "tpu.trace_start"() <{level = 10 : i32, message = "ep_copy_in"}> : () -> ()
        %rem3A_426 = arith.constant 2 : i32
        %rem3A_427 = arith.remui %select_n3A_116, %rem3A_426 : i32
        %mul3A_428 = arith.constant 512 : i32
        %mul3A_429 = arith.muli %mul3A_428, %add3A_148 : i32
        %dma_start3A_430 = arith.constant 0 : i32
        %dma_start3A_431 = arith.constant 0 : i32
        %dma_start3A_432 = tpu.memref_slice %run_scoped3A_10[%rem3A_427, %dma_start3A_430, %dma_start3A_431] : memref<2x1x512xi32, #tpu.memory_space<vmem>> -> memref<1x1x512xi32, #tpu.memory_space<vmem>>
        %dma_start3A_433 = tpu.memref_squeeze %dma_start3A_432 : memref<1x1x512xi32, #tpu.memory_space<vmem>> -> memref<1x512xi32, #tpu.memory_space<vmem>>
        %dma_start3A_434 = arith.constant 0 : i32
        %dma_start3A_435 = tpu.memref_slice %arg5[%dma_start3A_434, %mul3A_429] : memref<1x16384xi32, #tpu.memory_space<hbm>> -> memref<1x512xi32, #tpu.memory_space<hbm>>
        %dma_start3A_436 = tpu.memref_slice %run_scoped3A_11[%rem3A_427] : memref<2x!tpu.dma_semaphore, #tpu.memory_space<semaphore_mem>> -> memref<1x!tpu.dma_semaphore, #tpu.memory_space<semaphore_mem>>
        %dma_start3A_437 = tpu.memref_squeeze %dma_start3A_436 : memref<1x!tpu.dma_semaphore, #tpu.memory_space<semaphore_mem>> -> memref<!tpu.dma_semaphore, #tpu.memory_space<semaphore_mem>>
        %dma_start3A_438 = arith.constant 0 : i32
        %dma_start3A_439 = arith.constant 0 : i32
        %dma_start3A_440 = tpu.memref_slice %run_scoped3A_10[%rem3A_427, %dma_start3A_438, %dma_start3A_439] : memref<2x1x512xi32, #tpu.memory_space<vmem>> -> memref<1x1x512xi32, #tpu.memory_space<vmem>>
        %dma_start3A_441 = tpu.memref_squeeze %dma_start3A_440 : memref<1x1x512xi32, #tpu.memory_space<vmem>> -> memref<1x512xi32, #tpu.memory_space<vmem>>
        %dma_start3A_442 = arith.constant 0 : i32
        %dma_start3A_443 = tpu.memref_slice %arg5[%dma_start3A_442, %mul3A_429] : memref<1x16384xi32, #tpu.memory_space<hbm>> -> memref<1x512xi32, #tpu.memory_space<hbm>>
        tpu.enqueue_dma source(%dma_start3A_443 : memref<1x512xi32, #tpu.memory_space<hbm>>) target(%dma_start3A_441 : memref<1x512xi32, #tpu.memory_space<vmem>>) target_semaphore(%dma_start3A_437 : memref<!tpu.dma_semaphore, #tpu.memory_space<semaphore_mem>>)
        "tpu.trace_stop"() : () -> ()
      } else {
      }
      %and3A_195 = arith.constant true
      %and3A_196 = arith.andi %and3A_191, %and3A_195 : i1
      %add3A_197 = arith.constant 1 : i32
      %add3A_198 = arith.addi %select_n3A_116, %add3A_197 : i32
      %select_n3A_199 = arith.select %and3A_196, %add3A_198, %select_n3A_116 : i32
      %ne3A_200 = arith.cmpi ne, %add3A_128, %add3A_148 : i32
      %or3A_201 = arith.constant false
      %or3A_202 = arith.ori %or3A_201, %ne3A_200 : i1
      %ge3A_203 = arith.constant 0 : i32
      %ge3A_204 = arith.cmpi sge, %scan3A_122, %ge3A_203 : i32
      %not3A_205 = arith.constant true
      %not3A_206 = arith.xori %ge3A_204, %not3A_205 : i1
      %and3A_207 = arith.andi %or3A_202, %not3A_206 : i1
      %ne3A_208 = arith.cmpi ne, %add3A_128, %add3A_138 : i32
      %or3A_209 = arith.constant false
      %or3A_210 = arith.ori %or3A_209, %ne3A_208 : i1
      %or3A_211 = arith.ori %or3A_210, %eq3A_124 : i1
      %convert_element_type3A_212 = arith.extui %or3A_211 : i1 to i32
      %cond3A_213 = arith.constant 0 : i32
      %cond3A_214 = arith.cmpi ne, %convert_element_type3A_212, %cond3A_213 : i32
      scf.if %cond3A_214 {
        "tpu.trace_start"() <{level = 10 : i32, message = "ep_wait_in"}> : () -> ()
        %mul3A_426 = arith.constant 512 : i32
        %mul3A_427 = arith.muli %mul3A_426, %add3A_128 : i32
        %rem3A_428 = arith.constant 2 : i32
        %rem3A_429 = arith.remui %scan3A, %rem3A_428 : i32
        %dma_wait3A_430 = arith.constant 0 : i32
        %dma_wait3A_431 = arith.constant 0 : i32
        %dma_wait3A_432 = tpu.memref_slice %run_scoped3A[%rem3A_429, %dma_wait3A_430, %dma_wait3A_431] : memref<2x1x512xi32, #tpu.memory_space<vmem>> -> memref<1x1x512xi32, #tpu.memory_space<vmem>>
        %dma_wait3A_433 = tpu.memref_squeeze %dma_wait3A_432 : memref<1x1x512xi32, #tpu.memory_space<vmem>> -> memref<1x512xi32, #tpu.memory_space<vmem>>
        %dma_wait3A_434 = arith.constant 0 : i32
        %dma_wait3A_435 = tpu.memref_slice %arg3[%dma_wait3A_434, %mul3A_427] : memref<1x16384xi32, #tpu.memory_space<hbm>> -> memref<1x512xi32, #tpu.memory_space<hbm>>
        %dma_wait3A_436 = tpu.memref_slice %run_scoped3A_7[%rem3A_429] : memref<2x!tpu.dma_semaphore, #tpu.memory_space<semaphore_mem>> -> memref<1x!tpu.dma_semaphore, #tpu.memory_space<semaphore_mem>>
        %dma_wait3A_437 = tpu.memref_squeeze %dma_wait3A_436 : memref<1x!tpu.dma_semaphore, #tpu.memory_space<semaphore_mem>> -> memref<!tpu.dma_semaphore, #tpu.memory_space<semaphore_mem>>
        %dma_wait3A_438 = arith.constant 0 : i32
        %dma_wait3A_439 = arith.constant 0 : i32
        %dma_wait3A_440 = tpu.memref_slice %run_scoped3A[%rem3A_429, %dma_wait3A_438, %dma_wait3A_439] : memref<2x1x512xi32, #tpu.memory_space<vmem>> -> memref<1x1x512xi32, #tpu.memory_space<vmem>>
        %dma_wait3A_441 = tpu.memref_squeeze %dma_wait3A_440 : memref<1x1x512xi32, #tpu.memory_space<vmem>> -> memref<1x512xi32, #tpu.memory_space<vmem>>
        %dma_wait3A_442 = arith.constant 0 : i32
        %dma_wait3A_443 = tpu.memref_slice %arg3[%dma_wait3A_442, %mul3A_427] : memref<1x16384xi32, #tpu.memory_space<hbm>> -> memref<1x512xi32, #tpu.memory_space<hbm>>
        tpu.wait_dma2 semaphore(%dma_wait3A_437 : memref<!tpu.dma_semaphore, #tpu.memory_space<semaphore_mem>>) src(%dma_wait3A_443 : memref<1x512xi32, #tpu.memory_space<hbm>>) dst(%dma_wait3A_441 : memref<1x512xi32, #tpu.memory_space<vmem>>)
        "tpu.trace_stop"() : () -> ()
      } else {
      }
      %ne3A_215 = arith.cmpi ne, %add3A_128, %add3A_138 : i32
      %or3A_216 = arith.constant false
      %or3A_217 = arith.ori %or3A_216, %ne3A_215 : i1
      %or3A_218 = arith.ori %or3A_217, %eq3A_124 : i1
      %convert_element_type3A_219 = arith.extui %or3A_218 : i1 to i32
      %cond3A_220 = arith.constant 0 : i32
      %cond3A_221 = arith.cmpi ne, %convert_element_type3A_219, %cond3A_220 : i32
      scf.if %cond3A_221 {
        "tpu.trace_start"() <{level = 10 : i32, message = "ep_wait_in"}> : () -> ()
        %mul3A_426 = arith.constant 512 : i32
        %mul3A_427 = arith.muli %mul3A_426, %add3A_128 : i32
        %rem3A_428 = arith.constant 2 : i32
        %rem3A_429 = arith.remui %scan3A_117, %rem3A_428 : i32
        %dma_wait3A_430 = arith.constant 0 : i32
        %dma_wait3A_431 = arith.constant 0 : i32
        %dma_wait3A_432 = tpu.memref_slice %run_scoped3A_8[%rem3A_429, %dma_wait3A_430, %dma_wait3A_431] : memref<2x1x512xi32, #tpu.memory_space<vmem>> -> memref<1x1x512xi32, #tpu.memory_space<vmem>>
        %dma_wait3A_433 = tpu.memref_squeeze %dma_wait3A_432 : memref<1x1x512xi32, #tpu.memory_space<vmem>> -> memref<1x512xi32, #tpu.memory_space<vmem>>
        %dma_wait3A_434 = arith.constant 0 : i32
        %dma_wait3A_435 = tpu.memref_slice %arg4[%dma_wait3A_434, %mul3A_427] : memref<1x16384xi32, #tpu.memory_space<hbm>> -> memref<1x512xi32, #tpu.memory_space<hbm>>
        %dma_wait3A_436 = tpu.memref_slice %run_scoped3A_9[%rem3A_429] : memref<2x!tpu.dma_semaphore, #tpu.memory_space<semaphore_mem>> -> memref<1x!tpu.dma_semaphore, #tpu.memory_space<semaphore_mem>>
        %dma_wait3A_437 = tpu.memref_squeeze %dma_wait3A_436 : memref<1x!tpu.dma_semaphore, #tpu.memory_space<semaphore_mem>> -> memref<!tpu.dma_semaphore, #tpu.memory_space<semaphore_mem>>
        %dma_wait3A_438 = arith.constant 0 : i32
        %dma_wait3A_439 = arith.constant 0 : i32
        %dma_wait3A_440 = tpu.memref_slice %run_scoped3A_8[%rem3A_429, %dma_wait3A_438, %dma_wait3A_439] : memref<2x1x512xi32, #tpu.memory_space<vmem>> -> memref<1x1x512xi32, #tpu.memory_space<vmem>>
        %dma_wait3A_441 = tpu.memref_squeeze %dma_wait3A_440 : memref<1x1x512xi32, #tpu.memory_space<vmem>> -> memref<1x512xi32, #tpu.memory_space<vmem>>
        %dma_wait3A_442 = arith.constant 0 : i32
        %dma_wait3A_443 = tpu.memref_slice %arg4[%dma_wait3A_442, %mul3A_427] : memref<1x16384xi32, #tpu.memory_space<hbm>> -> memref<1x512xi32, #tpu.memory_space<hbm>>
        tpu.wait_dma2 semaphore(%dma_wait3A_437 : memref<!tpu.dma_semaphore, #tpu.memory_space<semaphore_mem>>) src(%dma_wait3A_443 : memref<1x512xi32, #tpu.memory_space<hbm>>) dst(%dma_wait3A_441 : memref<1x512xi32, #tpu.memory_space<vmem>>)
        "tpu.trace_stop"() : () -> ()
      } else {
      }
      %ne3A_222 = arith.cmpi ne, %add3A_128, %add3A_138 : i32
      %or3A_223 = arith.constant false
      %or3A_224 = arith.ori %or3A_223, %ne3A_222 : i1
      %or3A_225 = arith.ori %or3A_224, %eq3A_124 : i1
      %convert_element_type3A_226 = arith.extui %or3A_225 : i1 to i32
      %cond3A_227 = arith.constant 0 : i32
      %cond3A_228 = arith.cmpi ne, %convert_element_type3A_226, %cond3A_227 : i32
      scf.if %cond3A_228 {
        "tpu.trace_start"() <{level = 10 : i32, message = "ep_wait_in"}> : () -> ()
        %mul3A_426 = arith.constant 512 : i32
        %mul3A_427 = arith.muli %mul3A_426, %add3A_128 : i32
        %rem3A_428 = arith.constant 2 : i32
        %rem3A_429 = arith.remui %scan3A_118, %rem3A_428 : i32
        %dma_wait3A_430 = arith.constant 0 : i32
        %dma_wait3A_431 = arith.constant 0 : i32
        %dma_wait3A_432 = tpu.memref_slice %run_scoped3A_10[%rem3A_429, %dma_wait3A_430, %dma_wait3A_431] : memref<2x1x512xi32, #tpu.memory_space<vmem>> -> memref<1x1x512xi32, #tpu.memory_space<vmem>>
        %dma_wait3A_433 = tpu.memref_squeeze %dma_wait3A_432 : memref<1x1x512xi32, #tpu.memory_space<vmem>> -> memref<1x512xi32, #tpu.memory_space<vmem>>
        %dma_wait3A_434 = arith.constant 0 : i32
        %dma_wait3A_435 = tpu.memref_slice %arg5[%dma_wait3A_434, %mul3A_427] : memref<1x16384xi32, #tpu.memory_space<hbm>> -> memref<1x512xi32, #tpu.memory_space<hbm>>
        %dma_wait3A_436 = tpu.memref_slice %run_scoped3A_11[%rem3A_429] : memref<2x!tpu.dma_semaphore, #tpu.memory_space<semaphore_mem>> -> memref<1x!tpu.dma_semaphore, #tpu.memory_space<semaphore_mem>>
        %dma_wait3A_437 = tpu.memref_squeeze %dma_wait3A_436 : memref<1x!tpu.dma_semaphore, #tpu.memory_space<semaphore_mem>> -> memref<!tpu.dma_semaphore, #tpu.memory_space<semaphore_mem>>
        %dma_wait3A_438 = arith.constant 0 : i32
        %dma_wait3A_439 = arith.constant 0 : i32
        %dma_wait3A_440 = tpu.memref_slice %run_scoped3A_10[%rem3A_429, %dma_wait3A_438, %dma_wait3A_439] : memref<2x1x512xi32, #tpu.memory_space<vmem>> -> memref<1x1x512xi32, #tpu.memory_space<vmem>>
        %dma_wait3A_441 = tpu.memref_squeeze %dma_wait3A_440 : memref<1x1x512xi32, #tpu.memory_space<vmem>> -> memref<1x512xi32, #tpu.memory_space<vmem>>
        %dma_wait3A_442 = arith.constant 0 : i32
        %dma_wait3A_443 = tpu.memref_slice %arg5[%dma_wait3A_442, %mul3A_427] : memref<1x16384xi32, #tpu.memory_space<hbm>> -> memref<1x512xi32, #tpu.memory_space<hbm>>
        tpu.wait_dma2 semaphore(%dma_wait3A_437 : memref<!tpu.dma_semaphore, #tpu.memory_space<semaphore_mem>>) src(%dma_wait3A_443 : memref<1x512xi32, #tpu.memory_space<hbm>>) dst(%dma_wait3A_441 : memref<1x512xi32, #tpu.memory_space<vmem>>)
        "tpu.trace_stop"() : () -> ()
      } else {
      }
      %ne3A_229 = arith.cmpi ne, %add3A_128, %add3A_138 : i32
      %or3A_230 = arith.constant false
      %or3A_231 = arith.ori %or3A_230, %ne3A_229 : i1
      %or3A_232 = arith.ori %or3A_231, %eq3A_124 : i1
      %convert_element_type3A_233 = arith.extui %or3A_232 : i1 to i32
      %cond3A_234 = arith.constant 0 : i32
      %cond3A_235 = arith.cmpi ne, %convert_element_type3A_233, %cond3A_234 : i32
      scf.if %cond3A_235 {
      } else {
      }
      %rem3A_236 = arith.constant 2 : i32
      %rem3A_237 = arith.remui %scan3A, %rem3A_236 : i32
      %rem3A_238 = arith.constant 2 : i32
      %rem3A_239 = arith.remui %scan3A_117, %rem3A_238 : i32
      %rem3A_240 = arith.constant 2 : i32
      %rem3A_241 = arith.remui %scan3A_118, %rem3A_240 : i32
      %rem3A_242 = arith.constant 2 : i32
      %rem3A_243 = arith.remui %scan3A_119, %rem3A_242 : i32
      %mul3A_244 = arith.constant 512 : i32
      %mul3A_245 = arith.muli %rem3A_243, %mul3A_244 : i32
      "tpu.trace_start"() <{level = 10 : i32, message = "ep_run_kernel"}> : () -> ()
      %scan3A_246 = arith.constant 0 : i32
      %scan3A_247 = arith.constant 32 : i32
      %scan3A_248 = arith.addi %scan3A_246, %scan3A_247 : i32
      %scan3A_249 = arith.constant 1 : i32
      scf.for %scan3A_426 = %scan3A_246 to %scan3A_248 step %scan3A_249  : i32 {
        %mul3A_427 = arith.constant 16 : i32
        %mul3A_428 = arith.muli %scan3A_426, %mul3A_427 : i32
        %add3A_429 = arith.constant 0 : i32
        %add3A_430 = arith.addi %add3A_429, %mul3A_428 : i32
        %get3A = arith.constant 0 : i32
        %get3A_431 = arith.constant 0 : i32
        %get3A_432 = arith.constant 0 : i32
        %get3A_433 = tpu.memref_slice %run_scoped3A[%rem3A_237, %get3A_431, %get3A_432] : memref<2x1x512xi32, #tpu.memory_space<vmem>> -> memref<1x1x512xi32, #tpu.memory_space<vmem>>
        %get3A_434 = tpu.memref_squeeze %get3A_433 : memref<1x1x512xi32, #tpu.memory_space<vmem>> -> memref<1x512xi32, #tpu.memory_space<vmem>>
        %get3A_435 = arith.index_cast %get3A : i32 to index
        %get3A_436 = arith.index_cast %add3A_430 : i32 to index
        %get3A_437 = tpu.vector_load %get3A_434[%get3A_435, %get3A_436] {strides = array<i32>} : memref<1x512xi32, #tpu.memory_space<vmem>>, vector<16xi32>,
        %mul3A_438 = arith.constant 128 : i32
        %mul3A_439 = vector.broadcast %mul3A_438 : i32 to vector<16xi32>
        %mul3A_440 = arith.muli %get3A_437, %mul3A_439 : vector<16xi32>
        %get3A_441 = arith.constant 0 : i32
        %get3A_442 = arith.constant 0 : i32
        %get3A_443 = arith.constant 0 : i32
        %get3A_444 = tpu.memref_slice %run_scoped3A_8[%rem3A_239, %get3A_442, %get3A_443] : memref<2x1x512xi32, #tpu.memory_space<vmem>> -> memref<1x1x512xi32, #tpu.memory_space<vmem>>
        %get3A_445 = tpu.memref_squeeze %get3A_444 : memref<1x1x512xi32, #tpu.memory_space<vmem>> -> memref<1x512xi32, #tpu.memory_space<vmem>>
        %get3A_446 = arith.index_cast %get3A_441 : i32 to index
        %get3A_447 = arith.index_cast %add3A_430 : i32 to index
        %get3A_448 = tpu.vector_load %get3A_445[%get3A_446, %get3A_447] {strides = array<i32>} : memref<1x512xi32, #tpu.memory_space<vmem>>, vector<16xi32>,
        %add3A_449 = arith.addi %mul3A_440, %get3A_448 : vector<16xi32>
        %swap3A = arith.constant 0 : i32
        %swap3A_450 = arith.index_cast %swap3A : i32 to index
        %swap3A_451 = arith.index_cast %add3A_430 : i32 to index
        %swap3A_452 = tpu.vector_load %arg7[%swap3A_450, %swap3A_451] {strides = array<i32>} : memref<1x512xi32, #tpu.memory_space<vmem>>, vector<16xi32>,
        tpu.vector_store %arg7[%swap3A_450, %swap3A_451], %add3A_449 {strides = array<i32>} : memref<1x512xi32, #tpu.memory_space<vmem>>, vector<16xi32>,
      }
      %scan3A_250 = arith.constant 32 : i32
      %run_scoped3A_251 = arith.constant 0 : i32
      "tpu.region"() ({
        %run_scoped3A_426 = tpu.sem_alloc : memref<!tpu.dma_semaphore, #tpu.memory_space<semaphore_mem>>
        %dma_start3A_427 = arith.constant 0 : i32
        %dma_start3A_428 = tpu.memref_slice %arg7[%run_scoped3A_251, %dma_start3A_427] : memref<1x512xi32, #tpu.memory_space<vmem>> -> memref<1x512xi32, #tpu.memory_space<vmem>>
        %dma_start3A_429 = tpu.memref_squeeze %dma_start3A_428 : memref<1x512xi32, #tpu.memory_space<vmem>> -> memref<512xi32, #tpu.memory_space<vmem>>
        %dma_start3A_430 = arith.constant 0 : i32
        %dma_start3A_431 = arith.constant 0 : i32
        %dma_start3A_432 = tpu.memref_slice %arg2[%dma_start3A_430, %dma_start3A_431] : memref<12800x128xf32, #tpu.memory_space<hbm>> -> memref<12800x128xf32, #tpu.memory_space<hbm>>
        tpu.enqueue_indirect_dma source(%dma_start3A_432 : memref<12800x128xf32, #tpu.memory_space<hbm>>) target(%arg8 : memref<512x128xf32, #tpu.memory_space<vmem>>) offsets(%dma_start3A_429 : memref<512xi32, #tpu.memory_space<vmem>>) semaphore(%run_scoped3A_426 : memref<!tpu.dma_semaphore, #tpu.memory_space<semaphore_mem>>)
        %dma_wait3A_433 = arith.constant 0 : i32
        %dma_wait3A_434 = tpu.memref_slice %arg7[%run_scoped3A_251, %dma_wait3A_433] : memref<1x512xi32, #tpu.memory_space<vmem>> -> memref<1x512xi32, #tpu.memory_space<vmem>>
        %dma_wait3A_435 = tpu.memref_squeeze %dma_wait3A_434 : memref<1x512xi32, #tpu.memory_space<vmem>> -> memref<512xi32, #tpu.memory_space<vmem>>
        %dma_wait3A_436 = arith.constant 0 : i32
        %dma_wait3A_437 = arith.constant 0 : i32
        %dma_wait3A_438 = tpu.memref_slice %arg2[%dma_wait3A_436, %dma_wait3A_437] : memref<12800x128xf32, #tpu.memory_space<hbm>> -> memref<12800x128xf32, #tpu.memory_space<hbm>>
        tpu.wait_indirect_dma semaphore(%run_scoped3A_426 : memref<!tpu.dma_semaphore, #tpu.memory_space<semaphore_mem>>) src(%dma_wait3A_438 : memref<12800x128xf32, #tpu.memory_space<hbm>>) dst(%arg8 : memref<512x128xf32, #tpu.memory_space<vmem>>)
        tpu.yield
      }) : () -> ()
      %scan3A_252 = arith.constant 0 : i32
      %scan3A_253 = arith.constant 32 : i32
      %scan3A_254 = arith.addi %scan3A_252, %scan3A_253 : i32
      %scan3A_255 = arith.constant 1 : i32
      scf.for %scan3A_426 = %scan3A_252 to %scan3A_254 step %scan3A_255  : i32 {
        %mul3A_427 = arith.constant 16 : i32
        %mul3A_428 = arith.muli %scan3A_426, %mul3A_427 : i32
        %add3A_429 = arith.constant 0 : i32
        %add3A_430 = arith.addi %add3A_429, %mul3A_428 : i32
        %iota3A = tpu.iota {dimensions = array<i32: 0>} : vector<16xi32>
        %add3A_431 = vector.broadcast %add3A_430 : i32 to vector<16xi32>
        %add3A_432 = arith.addi %iota3A, %add3A_431 : vector<16xi32>
        %get3A = arith.constant 0 : i32
        %get3A_433 = arith.constant 0 : i32
        %get3A_434 = arith.constant 0 : i32
        %get3A_435 = tpu.memref_slice %run_scoped3A_10[%rem3A_241, %get3A_433, %get3A_434] : memref<2x1x512xi32, #tpu.memory_space<vmem>> -> memref<1x1x512xi32, #tpu.memory_space<vmem>>
        %get3A_436 = tpu.memref_squeeze %get3A_435 : memref<1x1x512xi32, #tpu.memory_space<vmem>> -> memref<1x512xi32, #tpu.memory_space<vmem>>
        %get3A_437 = arith.index_cast %get3A : i32 to index
        %get3A_438 = arith.index_cast %add3A_430 : i32 to index
        %get3A_439 = tpu.vector_load %get3A_436[%get3A_437, %get3A_438] {strides = array<i32>} : memref<1x512xi32, #tpu.memory_space<vmem>>, vector<16xi32>,
        %gather3A = tpu.vector_load_idx %arg8[%add3A_432, %get3A_439] : memref<512x128xf32, #tpu.memory_space<vmem>>[vector<16xi32>, vector<16xi32>], vector<16xf32>,
        %swap3A = tpu.memref_slice %run_scoped3A_12[%mul3A_245] : memref<1024xf32, #tpu.memory_space<vmem>> -> memref<512xf32, #tpu.memory_space<vmem>>
        %swap3A_440 = arith.index_cast %add3A_430 : i32 to index
        %swap3A_441 = tpu.vector_load %swap3A[%swap3A_440] {strides = array<i32>} : memref<512xf32, #tpu.memory_space<vmem>>, vector<16xf32>,
        tpu.vector_store %swap3A[%swap3A_440], %gather3A {strides = array<i32>} : memref<512xf32, #tpu.memory_space<vmem>>, vector<16xf32>,
      }
      %scan3A_256 = arith.constant 32 : i32
      "tpu.trace_stop"() : () -> ()
      %ne3A_257 = arith.cmpi ne, %add3A_128, %add3A_148 : i32
      %or3A_258 = arith.constant false
      %or3A_259 = arith.ori %or3A_258, %ne3A_257 : i1
      %or3A_260 = arith.ori %or3A_259, %eq3A_126 : i1
      %convert_element_type3A_261 = arith.extui %or3A_260 : i1 to i32
      %cond3A_262 = arith.constant 0 : i32
      %cond3A_263 = arith.cmpi ne, %convert_element_type3A_261, %cond3A_262 : i32
      scf.if %cond3A_263 {
      } else {
      }
      %and3A_264 = arith.constant false
      %and3A_265 = arith.andi %or3A_260, %and3A_264 : i1
      %ne3A_266 = arith.cmpi ne, %add3A_128, %add3A_148 : i32
      %or3A_267 = arith.constant false
      %or3A_268 = arith.ori %or3A_267, %ne3A_266 : i1
      %or3A_269 = arith.ori %or3A_268, %eq3A_126 : i1
      %convert_element_type3A_270 = arith.extui %or3A_269 : i1 to i32
      %cond3A_271 = arith.constant 0 : i32
      %cond3A_272 = arith.cmpi ne, %convert_element_type3A_270, %cond3A_271 : i32
      scf.if %cond3A_272 {
      } else {
      }
      %and3A_273 = arith.constant false
      %and3A_274 = arith.andi %or3A_269, %and3A_273 : i1
      %ne3A_275 = arith.cmpi ne, %add3A_128, %add3A_148 : i32
      %or3A_276 = arith.constant false
      %or3A_277 = arith.ori %or3A_276, %ne3A_275 : i1
      %or3A_278 = arith.ori %or3A_277, %eq3A_126 : i1
      %convert_element_type3A_279 = arith.extui %or3A_278 : i1 to i32
      %cond3A_280 = arith.constant 0 : i32
      %cond3A_281 = arith.cmpi ne, %convert_element_type3A_279, %cond3A_280 : i32
      scf.if %cond3A_281 {
      } else {
      }
      %and3A_282 = arith.constant false
      %and3A_283 = arith.andi %or3A_278, %and3A_282 : i1
      %ne3A_284 = arith.cmpi ne, %add3A_128, %add3A_148 : i32
      %or3A_285 = arith.constant false
      %or3A_286 = arith.ori %or3A_285, %ne3A_284 : i1
      %or3A_287 = arith.ori %or3A_286, %eq3A_126 : i1
      %convert_element_type3A_288 = arith.extui %or3A_287 : i1 to i32
      %cond3A_289 = arith.constant 0 : i32
      %cond3A_290 = arith.cmpi ne, %convert_element_type3A_288, %cond3A_289 : i32
      scf.if %cond3A_290 {
        "tpu.trace_start"() <{level = 10 : i32, message = "ep_copy_out"}> : () -> ()
        %rem3A_426 = arith.constant 2 : i32
        %rem3A_427 = arith.remui %scan3A_119, %rem3A_426 : i32
        %mul3A_428 = arith.constant 512 : i32
        %mul3A_429 = arith.muli %mul3A_428, %add3A_128 : i32
        %mul3A_430 = arith.constant 512 : i32
        %mul3A_431 = arith.muli %rem3A_427, %mul3A_430 : i32
        %add3A_432 = arith.constant 0 : i32
        %add3A_433 = arith.addi %mul3A_431, %add3A_432 : i32
        %dma_start3A_434 = tpu.memref_slice %run_scoped3A_12[%add3A_433] : memref<1024xf32, #tpu.memory_space<vmem>> -> memref<512xf32, #tpu.memory_space<vmem>>
        %dma_start3A_435 = tpu.memref_slice %arg6[%mul3A_429] : memref<16384xf32, #tpu.memory_space<hbm>> -> memref<512xf32, #tpu.memory_space<hbm>>
        %dma_start3A_436 = tpu.memref_slice %run_scoped3A_13[%rem3A_427] : memref<2x!tpu.dma_semaphore, #tpu.memory_space<semaphore_mem>> -> memref<1x!tpu.dma_semaphore, #tpu.memory_space<semaphore_mem>>
        %dma_start3A_437 = tpu.memref_squeeze %dma_start3A_436 : memref<1x!tpu.dma_semaphore, #tpu.memory_space<semaphore_mem>> -> memref<!tpu.dma_semaphore, #tpu.memory_space<semaphore_mem>>
        %dma_start3A_438 = tpu.memref_slice %arg6[%mul3A_429] : memref<16384xf32, #tpu.memory_space<hbm>> -> memref<512xf32, #tpu.memory_space<hbm>>
        %dma_start3A_439 = tpu.memref_slice %run_scoped3A_12[%add3A_433] : memref<1024xf32, #tpu.memory_space<vmem>> -> memref<512xf32, #tpu.memory_space<vmem>>
        tpu.enqueue_dma source(%dma_start3A_439 : memref<512xf32, #tpu.memory_space<vmem>>) target(%dma_start3A_438 : memref<512xf32, #tpu.memory_space<hbm>>) target_semaphore(%dma_start3A_437 : memref<!tpu.dma_semaphore, #tpu.memory_space<semaphore_mem>>)
        "tpu.trace_stop"() : () -> ()
      } else {
      }
      %and3A_291 = arith.constant true
      %and3A_292 = arith.andi %or3A_287, %and3A_291 : i1
      %add3A_293 = arith.constant 1 : i32
      %add3A_294 = arith.addi %scan3A_119, %add3A_293 : i32
      %select_n3A_295 = arith.select %and3A_292, %add3A_294, %scan3A_119 : i32
      %ne3A_296 = arith.cmpi ne, %add3A_128, %add3A_138 : i32
      %or3A_297 = arith.constant false
      %or3A_298 = arith.ori %or3A_297, %ne3A_296 : i1
      %not3A_299 = arith.constant true
      %not3A_300 = arith.xori %eq3A_124, %not3A_299 : i1
      %and3A_301 = arith.andi %or3A_298, %not3A_300 : i1
      %convert_element_type3A_302 = arith.extui %and3A_301 : i1 to i32
      %cond3A_303 = arith.constant 0 : i32
      %cond3A_304 = arith.cmpi ne, %convert_element_type3A_302, %cond3A_303 : i32
      scf.if %cond3A_304 {
      } else {
      }
      %and3A_305 = arith.constant false
      %and3A_306 = arith.andi %and3A_301, %and3A_305 : i1
      %ne3A_307 = arith.cmpi ne, %add3A_128, %add3A_138 : i32
      %or3A_308 = arith.constant false
      %or3A_309 = arith.ori %or3A_308, %ne3A_307 : i1
      %not3A_310 = arith.constant true
      %not3A_311 = arith.xori %eq3A_124, %not3A_310 : i1
      %and3A_312 = arith.andi %or3A_309, %not3A_311 : i1
      %convert_element_type3A_313 = arith.extui %and3A_312 : i1 to i32
      %cond3A_314 = arith.constant 0 : i32
      %cond3A_315 = arith.cmpi ne, %convert_element_type3A_313, %cond3A_314 : i32
      scf.if %cond3A_315 {
      } else {
      }
      %and3A_316 = arith.constant false
      %and3A_317 = arith.andi %and3A_312, %and3A_316 : i1
      %ne3A_318 = arith.cmpi ne, %add3A_128, %add3A_138 : i32
      %or3A_319 = arith.constant false
      %or3A_320 = arith.ori %or3A_319, %ne3A_318 : i1
      %not3A_321 = arith.constant true
      %not3A_322 = arith.xori %eq3A_124, %not3A_321 : i1
      %and3A_323 = arith.andi %or3A_320, %not3A_322 : i1
      %convert_element_type3A_324 = arith.extui %and3A_323 : i1 to i32
      %cond3A_325 = arith.constant 0 : i32
      %cond3A_326 = arith.cmpi ne, %convert_element_type3A_324, %cond3A_325 : i32
      scf.if %cond3A_326 {
      } else {
      }
      %and3A_327 = arith.constant false
      %and3A_328 = arith.andi %and3A_323, %and3A_327 : i1
      %ne3A_329 = arith.cmpi ne, %add3A_128, %add3A_138 : i32
      %or3A_330 = arith.constant false
      %or3A_331 = arith.ori %or3A_330, %ne3A_329 : i1
      %not3A_332 = arith.constant true
      %not3A_333 = arith.xori %eq3A_124, %not3A_332 : i1
      %and3A_334 = arith.andi %or3A_331, %not3A_333 : i1
      %convert_element_type3A_335 = arith.extui %and3A_334 : i1 to i32
      %cond3A_336 = arith.constant 0 : i32
      %cond3A_337 = arith.cmpi ne, %convert_element_type3A_335, %cond3A_336 : i32
      scf.if %cond3A_337 {
        "tpu.trace_start"() <{level = 10 : i32, message = "ep_wait_out"}> : () -> ()
        %rem3A_426 = arith.constant 2 : i32
        %rem3A_427 = arith.remui %scan3A_120, %rem3A_426 : i32
        %mul3A_428 = arith.constant 512 : i32
        %mul3A_429 = arith.muli %mul3A_428, %add3A_138 : i32
        %mul3A_430 = arith.constant 512 : i32
        %mul3A_431 = arith.muli %rem3A_427, %mul3A_430 : i32
        %add3A_432 = arith.constant 0 : i32
        %add3A_433 = arith.addi %mul3A_431, %add3A_432 : i32
        %dma_wait3A_434 = tpu.memref_slice %run_scoped3A_12[%add3A_433] : memref<1024xf32, #tpu.memory_space<vmem>> -> memref<512xf32, #tpu.memory_space<vmem>>
        %dma_wait3A_435 = tpu.memref_slice %arg6[%mul3A_429] : memref<16384xf32, #tpu.memory_space<hbm>> -> memref<512xf32, #tpu.memory_space<hbm>>
        %dma_wait3A_436 = tpu.memref_slice %run_scoped3A_13[%rem3A_427] : memref<2x!tpu.dma_semaphore, #tpu.memory_space<semaphore_mem>> -> memref<1x!tpu.dma_semaphore, #tpu.memory_space<semaphore_mem>>
        %dma_wait3A_437 = tpu.memref_squeeze %dma_wait3A_436 : memref<1x!tpu.dma_semaphore, #tpu.memory_space<semaphore_mem>> -> memref<!tpu.dma_semaphore, #tpu.memory_space<semaphore_mem>>
        %dma_wait3A_438 = tpu.memref_slice %arg6[%mul3A_429] : memref<16384xf32, #tpu.memory_space<hbm>> -> memref<512xf32, #tpu.memory_space<hbm>>
        %dma_wait3A_439 = tpu.memref_slice %run_scoped3A_12[%add3A_433] : memref<1024xf32, #tpu.memory_space<vmem>> -> memref<512xf32, #tpu.memory_space<vmem>>
        tpu.wait_dma2 semaphore(%dma_wait3A_437 : memref<!tpu.dma_semaphore, #tpu.memory_space<semaphore_mem>>) src(%dma_wait3A_439 : memref<512xf32, #tpu.memory_space<vmem>>) dst(%dma_wait3A_438 : memref<512xf32, #tpu.memory_space<hbm>>)
        "tpu.trace_stop"() : () -> ()
      } else {
      }
      %and3A_338 = arith.constant true
      %and3A_339 = arith.andi %and3A_334, %and3A_338 : i1
      %add3A_340 = arith.constant 1 : i32
      %add3A_341 = arith.addi %scan3A_120, %add3A_340 : i32
      %select_n3A_342 = arith.select %and3A_339, %add3A_341, %scan3A_120 : i32
      %ne3A_343 = arith.cmpi ne, %add3A_128, %add3A_148 : i32
      %or3A_344 = arith.constant false
      %or3A_345 = arith.ori %or3A_344, %ne3A_343 : i1
      %or3A_346 = arith.ori %or3A_345, %eq3A_126 : i1
      %add3A_347 = arith.constant 1 : i32
      %add3A_348 = arith.addi %scan3A, %add3A_347 : i32
      %select_n3A_349 = arith.select %or3A_346, %add3A_348, %scan3A : i32
      %ne3A_350 = arith.cmpi ne, %add3A_128, %add3A_148 : i32
      %or3A_351 = arith.constant false
      %or3A_352 = arith.ori %or3A_351, %ne3A_350 : i1
      %or3A_353 = arith.ori %or3A_352, %eq3A_126 : i1
      %add3A_354 = arith.constant 1 : i32
      %add3A_355 = arith.addi %scan3A_117, %add3A_354 : i32
      %select_n3A_356 = arith.select %or3A_353, %add3A_355, %scan3A_117 : i32
      %ne3A_357 = arith.cmpi ne, %add3A_128, %add3A_148 : i32
      %or3A_358 = arith.constant false
      %or3A_359 = arith.ori %or3A_358, %ne3A_357 : i1
      %or3A_360 = arith.ori %or3A_359, %eq3A_126 : i1
      %add3A_361 = arith.constant 1 : i32
      %add3A_362 = arith.addi %scan3A_118, %add3A_361 : i32
      %select_n3A_363 = arith.select %or3A_360, %add3A_362, %scan3A_118 : i32
      %select_n3A_364 = arith.constant true
      %select_n3A_365 = arith.constant 0 : i32
      %select_n3A_366 = arith.constant 1 : i32
      %select_n3A_367 = arith.select %select_n3A_364, %select_n3A_366, %select_n3A_365 : i32
      %eq3A_368 = arith.constant 1 : i32
      %eq3A_369 = arith.cmpi eq, %select_n3A_367, %eq3A_368 : i32
      %select_n3A_370 = arith.constant 0 : i32
      %select_n3A_371 = arith.select %eq3A_369, %select_n3A_370, %select_n3A_367 : i32
      %scan3A_372 = arith.constant 0 : i32
      %scan3A_373 = arith.constant 1 : i32
      %sub3A = arith.constant 1 : i32
      %sub3A_374 = arith.subi %scan3A_372, %sub3A : i32
      %select_n3A_375 = arith.constant true
      %select_n3A_376 = arith.select %select_n3A_375, %sub3A_374, %scan3A_372 : i32
      %eq3A_377 = arith.constant -1 : i32
      %eq3A_378 = arith.cmpi eq, %select_n3A_376, %eq3A_377 : i32
      %select_n3A_379 = arith.constant 0 : i32
      %select_n3A_380 = arith.select %eq3A_378, %select_n3A_379, %select_n3A_376 : i32
      %add3A_381 = arith.constant 0 : i32
      %add3A_382 = arith.addi %add3A_381, %mul3A_6 : i32
      %select_n3A_383 = arith.constant true
      %select_n3A_384 = arith.constant 0 : i32
      %select_n3A_385 = arith.constant -1 : i32
      %select_n3A_386 = arith.select %select_n3A_383, %select_n3A_385, %select_n3A_384 : i32
      %eq3A_387 = arith.constant -1 : i32
      %eq3A_388 = arith.cmpi eq, %select_n3A_386, %eq3A_387 : i32
      %select_n3A_389 = arith.constant 0 : i32
      %select_n3A_390 = arith.select %eq3A_388, %select_n3A_389, %select_n3A_386 : i32
      %add3A_391 = arith.constant 0 : i32
      %add3A_392 = arith.addi %add3A_391, %mul3A_6 : i32
      %select_n3A_393 = arith.constant true
      %select_n3A_394 = arith.constant 0 : i32
      %select_n3A_395 = arith.constant 1 : i32
      %select_n3A_396 = arith.select %select_n3A_393, %select_n3A_395, %select_n3A_394 : i32
      %eq3A_397 = arith.constant 1 : i32
      %eq3A_398 = arith.cmpi eq, %select_n3A_396, %eq3A_397 : i32
      %select_n3A_399 = arith.constant 0 : i32
      %select_n3A_400 = arith.select %eq3A_398, %select_n3A_399, %select_n3A_396 : i32
      %add3A_401 = arith.constant 0 : i32
      %add3A_402 = arith.addi %add3A_401, %mul3A_6 : i32
      %select_n3A_403 = arith.constant true
      %select_n3A_404 = arith.constant 0 : i32
      %select_n3A_405 = arith.constant 1 : i32
      %select_n3A_406 = arith.select %select_n3A_403, %select_n3A_405, %select_n3A_404 : i32
      %eq3A_407 = arith.constant 1 : i32
      %eq3A_408 = arith.cmpi eq, %select_n3A_406, %eq3A_407 : i32
      %select_n3A_409 = arith.constant 0 : i32
      %select_n3A_410 = arith.select %eq3A_408, %select_n3A_409, %select_n3A_406 : i32
      %add3A_411 = arith.constant 0 : i32
      %add3A_412 = arith.addi %add3A_411, %mul3A_6 : i32
      "tpu.trace_start"() <{level = 10 : i32, message = "ep_finalize"}> : () -> ()
      %rem3A_413 = arith.constant 2 : i32
      %rem3A_414 = arith.remui %select_n3A_342, %rem3A_413 : i32
      %mul3A_415 = arith.constant 512 : i32
      %mul3A_416 = arith.muli %mul3A_415, %add3A_382 : i32
      %mul3A_417 = arith.constant 512 : i32
      %mul3A_418 = arith.muli %rem3A_414, %mul3A_417 : i32
      %add3A_419 = arith.constant 0 : i32
      %add3A_420 = arith.addi %mul3A_418, %add3A_419 : i32
      %dma_wait3A = tpu.memref_slice %run_scoped3A_12[%add3A_420] : memref<1024xf32, #tpu.memory_space<vmem>> -> memref<512xf32, #tpu.memory_space<vmem>>
      %dma_wait3A_421 = tpu.memref_slice %arg6[%mul3A_416] : memref<16384xf32, #tpu.memory_space<hbm>> -> memref<512xf32, #tpu.memory_space<hbm>>
      %dma_wait3A_422 = tpu.memref_slice %run_scoped3A_13[%rem3A_414] : memref<2x!tpu.dma_semaphore, #tpu.memory_space<semaphore_mem>> -> memref<1x!tpu.dma_semaphore, #tpu.memory_space<semaphore_mem>>
      %dma_wait3A_423 = tpu.memref_squeeze %dma_wait3A_422 : memref<1x!tpu.dma_semaphore, #tpu.memory_space<semaphore_mem>> -> memref<!tpu.dma_semaphore, #tpu.memory_space<semaphore_mem>>
      %dma_wait3A_424 = tpu.memref_slice %arg6[%mul3A_416] : memref<16384xf32, #tpu.memory_space<hbm>> -> memref<512xf32, #tpu.memory_space<hbm>>
      %dma_wait3A_425 = tpu.memref_slice %run_scoped3A_12[%add3A_420] : memref<1024xf32, #tpu.memory_space<vmem>> -> memref<512xf32, #tpu.memory_space<vmem>>
      tpu.wait_dma2 semaphore(%dma_wait3A_423 : memref<!tpu.dma_semaphore, #tpu.memory_space<semaphore_mem>>) src(%dma_wait3A_425 : memref<512xf32, #tpu.memory_space<vmem>>) dst(%dma_wait3A_424 : memref<512xf32, #tpu.memory_space<hbm>>)
      "tpu.trace_stop"() : () -> ()
      tpu.yield
    }) : () -> ()
    return
  }
}

module attributes {stable_mosaic.version = 14 : i64} {
  func.func @_table_body(%arg0: i32, %arg1: memref<20x32x32xf32, #tpu.memory_space<vmem>>, %arg2: memref<32x4096xf32, #tpu.memory_space<vmem>>, %arg3: memref<1024x128xf32, #tpu.memory_space<vmem>>, %arg4: memref<2560x128xf32, #tpu.memory_space<vmem>>) attributes {dimension_semantics = [#tpu.dimension_semantics<arbitrary>], iteration_bounds = array<i64: 5>, scalar_prefetch = 0 : i64, scratch_operands = 0 : i64, tpu.core_type = #tpu.core_type<tc>, window_params = [{transform_indices = @transform_0, window_bounds = array<i64: 20, 32, 32>}, {pipeline_mode = #tpu.pipeline_mode<synchronous>, transform_indices = @transform_1, window_bounds = array<i64: 32, 4096>}, {pipeline_mode = #tpu.pipeline_mode<synchronous>, transform_indices = @transform_2, window_bounds = array<i64: 1024, 128>}, {transform_indices = @transform_3, window_bounds = array<i64: 2560, 128>}]} {
    %get3A = arith.constant 0 : index
    %get3A_0 = arith.constant 0 : index
    %get3A_1 = arith.constant 0 : index
    %get3A_2 = vector.load %arg1[%get3A, %get3A_0, %get3A_1] : memref<20x32x32xf32, #tpu.memory_space<vmem>>, vector<20x32x32xf32>
    %convert_element_type3A = arith.truncf %get3A_2 : vector<20x32x32xf32> to vector<20x32x32xbf16>
    %reshape3A = vector.shape_cast %convert_element_type3A : vector<20x32x32xbf16> to vector<640x32xbf16>
    %get3A_3 = arith.constant 0 : index
    %get3A_4 = arith.constant 0 : index
    %get3A_5 = vector.load %arg2[%get3A_3, %get3A_4] : memref<32x4096xf32, #tpu.memory_space<vmem>>, vector<32x4096xf32>
    %convert_element_type3A_6 = arith.truncf %get3A_5 : vector<32x4096xf32> to vector<32x4096xbf16>
    %dot_general3A = arith.constant dense<0.000000e+00> : vector<640x4096xf32>
    %dot_general3A_7 = tpu.matmul %reshape3A, %convert_element_type3A_6, %dot_general3A {dimension_numbers = #tpu.dot_dimension_numbers<[1], [0], [0], [1], [0, 0, 1, 1], [], []>, transpose_lhs_hint = false} : vector<640x32xbf16>, vector<32x4096xbf16>, vector<640x4096xf32> -> vector<640x4096xf32>
    %convert_element_type3A_8 = arith.truncf %dot_general3A_7 : vector<640x4096xf32> to vector<640x4096xbf16>
    %reshape3A_9 = vector.shape_cast %convert_element_type3A_8 : vector<640x4096xbf16> to vector<20x32x4096xbf16>
    %transpose3A = tpu.transpose %reshape3A_9, [0, 2, 1] : vector<20x32x4096xbf16> -> vector<20x4096x32xbf16>
    %broadcast_in_dim3A = arith.constant 0.000000e+00 : f32
    %broadcast_in_dim3A_10 = vector.broadcast %broadcast_in_dim3A : f32 to vector<2560x128xf32>
    %slice3A = vector.extract_strided_slice %transpose3A {offsets = [0, 0, 0], sizes = [20, 128, 32], strides = [1, 1, 1]} : vector<20x4096x32xbf16> to vector<20x128x32xbf16>
    %slice3A_11 = vector.extract_strided_slice %transpose3A {offsets = [0, 128, 0], sizes = [20, 128, 32], strides = [1, 1, 1]} : vector<20x4096x32xbf16> to vector<20x128x32xbf16>
    %slice3A_12 = vector.extract_strided_slice %transpose3A {offsets = [0, 256, 0], sizes = [20, 128, 32], strides = [1, 1, 1]} : vector<20x4096x32xbf16> to vector<20x128x32xbf16>
    %slice3A_13 = vector.extract_strided_slice %transpose3A {offsets = [0, 384, 0], sizes = [20, 128, 32], strides = [1, 1, 1]} : vector<20x4096x32xbf16> to vector<20x128x32xbf16>
    %slice3A_14 = vector.extract_strided_slice %transpose3A {offsets = [0, 512, 0], sizes = [20, 128, 32], strides = [1, 1, 1]} : vector<20x4096x32xbf16> to vector<20x128x32xbf16>
    %slice3A_15 = vector.extract_strided_slice %transpose3A {offsets = [0, 640, 0], sizes = [20, 128, 32], strides = [1, 1, 1]} : vector<20x4096x32xbf16> to vector<20x128x32xbf16>
    %slice3A_16 = vector.extract_strided_slice %transpose3A {offsets = [0, 768, 0], sizes = [20, 128, 32], strides = [1, 1, 1]} : vector<20x4096x32xbf16> to vector<20x128x32xbf16>
    %slice3A_17 = vector.extract_strided_slice %transpose3A {offsets = [0, 896, 0], sizes = [20, 128, 32], strides = [1, 1, 1]} : vector<20x4096x32xbf16> to vector<20x128x32xbf16>
    %concatenate3A = tpu.concatenate %slice3A, %slice3A_11, %slice3A_12, %slice3A_13, %slice3A_14, %slice3A_15, %slice3A_16, %slice3A_17 in 2 : vector<20x128x32xbf16>, vector<20x128x32xbf16>, vector<20x128x32xbf16>, vector<20x128x32xbf16>, vector<20x128x32xbf16>, vector<20x128x32xbf16>, vector<20x128x32xbf16>, vector<20x128x32xbf16> -> vector<20x128x256xbf16>
    %reshape3A_18 = vector.shape_cast %concatenate3A : vector<20x128x256xbf16> to vector<2560x256xbf16>
    %get3A_19 = arith.constant 0 : index
    %get3A_20 = arith.constant 0 : index
    %get3A_21 = vector.load %arg3[%get3A_19, %get3A_20] : memref<1024x128xf32, #tpu.memory_space<vmem>>, vector<256x128xf32>
    %convert_element_type3A_22 = arith.truncf %get3A_21 : vector<256x128xf32> to vector<256x128xbf16>
    %dot_general3A_23 = arith.constant dense<0.000000e+00> : vector<2560x128xf32>
    %dot_general3A_24 = tpu.matmul %reshape3A_18, %convert_element_type3A_22, %dot_general3A_23 {dimension_numbers = #tpu.dot_dimension_numbers<[1], [0], [0], [1], [0, 0, 1, 1], [], []>, transpose_lhs_hint = false} : vector<2560x256xbf16>, vector<256x128xbf16>, vector<2560x128xf32> -> vector<2560x128xf32>
    %add3A = arith.addf %broadcast_in_dim3A_10, %dot_general3A_24 : vector<2560x128xf32>
    %slice3A_25 = vector.extract_strided_slice %transpose3A {offsets = [0, 1024, 0], sizes = [20, 128, 32], strides = [1, 1, 1]} : vector<20x4096x32xbf16> to vector<20x128x32xbf16>
    %slice3A_26 = vector.extract_strided_slice %transpose3A {offsets = [0, 1152, 0], sizes = [20, 128, 32], strides = [1, 1, 1]} : vector<20x4096x32xbf16> to vector<20x128x32xbf16>
    %slice3A_27 = vector.extract_strided_slice %transpose3A {offsets = [0, 1280, 0], sizes = [20, 128, 32], strides = [1, 1, 1]} : vector<20x4096x32xbf16> to vector<20x128x32xbf16>
    %slice3A_28 = vector.extract_strided_slice %transpose3A {offsets = [0, 1408, 0], sizes = [20, 128, 32], strides = [1, 1, 1]} : vector<20x4096x32xbf16> to vector<20x128x32xbf16>
    %slice3A_29 = vector.extract_strided_slice %transpose3A {offsets = [0, 1536, 0], sizes = [20, 128, 32], strides = [1, 1, 1]} : vector<20x4096x32xbf16> to vector<20x128x32xbf16>
    %slice3A_30 = vector.extract_strided_slice %transpose3A {offsets = [0, 1664, 0], sizes = [20, 128, 32], strides = [1, 1, 1]} : vector<20x4096x32xbf16> to vector<20x128x32xbf16>
    %slice3A_31 = vector.extract_strided_slice %transpose3A {offsets = [0, 1792, 0], sizes = [20, 128, 32], strides = [1, 1, 1]} : vector<20x4096x32xbf16> to vector<20x128x32xbf16>
    %slice3A_32 = vector.extract_strided_slice %transpose3A {offsets = [0, 1920, 0], sizes = [20, 128, 32], strides = [1, 1, 1]} : vector<20x4096x32xbf16> to vector<20x128x32xbf16>
    %concatenate3A_33 = tpu.concatenate %slice3A_25, %slice3A_26, %slice3A_27, %slice3A_28, %slice3A_29, %slice3A_30, %slice3A_31, %slice3A_32 in 2 : vector<20x128x32xbf16>, vector<20x128x32xbf16>, vector<20x128x32xbf16>, vector<20x128x32xbf16>, vector<20x128x32xbf16>, vector<20x128x32xbf16>, vector<20x128x32xbf16>, vector<20x128x32xbf16> -> vector<20x128x256xbf16>
    %reshape3A_34 = vector.shape_cast %concatenate3A_33 : vector<20x128x256xbf16> to vector<2560x256xbf16>
    %get3A_35 = arith.constant 256 : index
    %get3A_36 = arith.constant 0 : index
    %get3A_37 = vector.load %arg3[%get3A_35, %get3A_36] : memref<1024x128xf32, #tpu.memory_space<vmem>>, vector<256x128xf32>
    %convert_element_type3A_38 = arith.truncf %get3A_37 : vector<256x128xf32> to vector<256x128xbf16>
    %dot_general3A_39 = arith.constant dense<0.000000e+00> : vector<2560x128xf32>
    %dot_general3A_40 = tpu.matmul %reshape3A_34, %convert_element_type3A_38, %dot_general3A_39 {dimension_numbers = #tpu.dot_dimension_numbers<[1], [0], [0], [1], [0, 0, 1, 1], [], []>, transpose_lhs_hint = false} : vector<2560x256xbf16>, vector<256x128xbf16>, vector<2560x128xf32> -> vector<2560x128xf32>
    %add3A_41 = arith.addf %add3A, %dot_general3A_40 : vector<2560x128xf32>
    %slice3A_42 = vector.extract_strided_slice %transpose3A {offsets = [0, 2048, 0], sizes = [20, 128, 32], strides = [1, 1, 1]} : vector<20x4096x32xbf16> to vector<20x128x32xbf16>
    %slice3A_43 = vector.extract_strided_slice %transpose3A {offsets = [0, 2176, 0], sizes = [20, 128, 32], strides = [1, 1, 1]} : vector<20x4096x32xbf16> to vector<20x128x32xbf16>
    %slice3A_44 = vector.extract_strided_slice %transpose3A {offsets = [0, 2304, 0], sizes = [20, 128, 32], strides = [1, 1, 1]} : vector<20x4096x32xbf16> to vector<20x128x32xbf16>
    %slice3A_45 = vector.extract_strided_slice %transpose3A {offsets = [0, 2432, 0], sizes = [20, 128, 32], strides = [1, 1, 1]} : vector<20x4096x32xbf16> to vector<20x128x32xbf16>
    %slice3A_46 = vector.extract_strided_slice %transpose3A {offsets = [0, 2560, 0], sizes = [20, 128, 32], strides = [1, 1, 1]} : vector<20x4096x32xbf16> to vector<20x128x32xbf16>
    %slice3A_47 = vector.extract_strided_slice %transpose3A {offsets = [0, 2688, 0], sizes = [20, 128, 32], strides = [1, 1, 1]} : vector<20x4096x32xbf16> to vector<20x128x32xbf16>
    %slice3A_48 = vector.extract_strided_slice %transpose3A {offsets = [0, 2816, 0], sizes = [20, 128, 32], strides = [1, 1, 1]} : vector<20x4096x32xbf16> to vector<20x128x32xbf16>
    %slice3A_49 = vector.extract_strided_slice %transpose3A {offsets = [0, 2944, 0], sizes = [20, 128, 32], strides = [1, 1, 1]} : vector<20x4096x32xbf16> to vector<20x128x32xbf16>
    %concatenate3A_50 = tpu.concatenate %slice3A_42, %slice3A_43, %slice3A_44, %slice3A_45, %slice3A_46, %slice3A_47, %slice3A_48, %slice3A_49 in 2 : vector<20x128x32xbf16>, vector<20x128x32xbf16>, vector<20x128x32xbf16>, vector<20x128x32xbf16>, vector<20x128x32xbf16>, vector<20x128x32xbf16>, vector<20x128x32xbf16>, vector<20x128x32xbf16> -> vector<20x128x256xbf16>
    %reshape3A_51 = vector.shape_cast %concatenate3A_50 : vector<20x128x256xbf16> to vector<2560x256xbf16>
    %get3A_52 = arith.constant 512 : index
    %get3A_53 = arith.constant 0 : index
    %get3A_54 = vector.load %arg3[%get3A_52, %get3A_53] : memref<1024x128xf32, #tpu.memory_space<vmem>>, vector<256x128xf32>
    %convert_element_type3A_55 = arith.truncf %get3A_54 : vector<256x128xf32> to vector<256x128xbf16>
    %dot_general3A_56 = arith.constant dense<0.000000e+00> : vector<2560x128xf32>
    %dot_general3A_57 = tpu.matmul %reshape3A_51, %convert_element_type3A_55, %dot_general3A_56 {dimension_numbers = #tpu.dot_dimension_numbers<[1], [0], [0], [1], [0, 0, 1, 1], [], []>, transpose_lhs_hint = false} : vector<2560x256xbf16>, vector<256x128xbf16>, vector<2560x128xf32> -> vector<2560x128xf32>
    %add3A_58 = arith.addf %add3A_41, %dot_general3A_57 : vector<2560x128xf32>
    %slice3A_59 = vector.extract_strided_slice %transpose3A {offsets = [0, 3072, 0], sizes = [20, 128, 32], strides = [1, 1, 1]} : vector<20x4096x32xbf16> to vector<20x128x32xbf16>
    %slice3A_60 = vector.extract_strided_slice %transpose3A {offsets = [0, 3200, 0], sizes = [20, 128, 32], strides = [1, 1, 1]} : vector<20x4096x32xbf16> to vector<20x128x32xbf16>
    %slice3A_61 = vector.extract_strided_slice %transpose3A {offsets = [0, 3328, 0], sizes = [20, 128, 32], strides = [1, 1, 1]} : vector<20x4096x32xbf16> to vector<20x128x32xbf16>
    %slice3A_62 = vector.extract_strided_slice %transpose3A {offsets = [0, 3456, 0], sizes = [20, 128, 32], strides = [1, 1, 1]} : vector<20x4096x32xbf16> to vector<20x128x32xbf16>
    %slice3A_63 = vector.extract_strided_slice %transpose3A {offsets = [0, 3584, 0], sizes = [20, 128, 32], strides = [1, 1, 1]} : vector<20x4096x32xbf16> to vector<20x128x32xbf16>
    %slice3A_64 = vector.extract_strided_slice %transpose3A {offsets = [0, 3712, 0], sizes = [20, 128, 32], strides = [1, 1, 1]} : vector<20x4096x32xbf16> to vector<20x128x32xbf16>
    %slice3A_65 = vector.extract_strided_slice %transpose3A {offsets = [0, 3840, 0], sizes = [20, 128, 32], strides = [1, 1, 1]} : vector<20x4096x32xbf16> to vector<20x128x32xbf16>
    %slice3A_66 = vector.extract_strided_slice %transpose3A {offsets = [0, 3968, 0], sizes = [20, 128, 32], strides = [1, 1, 1]} : vector<20x4096x32xbf16> to vector<20x128x32xbf16>
    %concatenate3A_67 = tpu.concatenate %slice3A_59, %slice3A_60, %slice3A_61, %slice3A_62, %slice3A_63, %slice3A_64, %slice3A_65, %slice3A_66 in 2 : vector<20x128x32xbf16>, vector<20x128x32xbf16>, vector<20x128x32xbf16>, vector<20x128x32xbf16>, vector<20x128x32xbf16>, vector<20x128x32xbf16>, vector<20x128x32xbf16>, vector<20x128x32xbf16> -> vector<20x128x256xbf16>
    %reshape3A_68 = vector.shape_cast %concatenate3A_67 : vector<20x128x256xbf16> to vector<2560x256xbf16>
    %get3A_69 = arith.constant 768 : index
    %get3A_70 = arith.constant 0 : index
    %get3A_71 = vector.load %arg3[%get3A_69, %get3A_70] : memref<1024x128xf32, #tpu.memory_space<vmem>>, vector<256x128xf32>
    %convert_element_type3A_72 = arith.truncf %get3A_71 : vector<256x128xf32> to vector<256x128xbf16>
    %dot_general3A_73 = arith.constant dense<0.000000e+00> : vector<2560x128xf32>
    %dot_general3A_74 = tpu.matmul %reshape3A_68, %convert_element_type3A_72, %dot_general3A_73 {dimension_numbers = #tpu.dot_dimension_numbers<[1], [0], [0], [1], [0, 0, 1, 1], [], []>, transpose_lhs_hint = false} : vector<2560x256xbf16>, vector<256x128xbf16>, vector<2560x128xf32> -> vector<2560x128xf32>
    %add3A_75 = arith.addf %add3A_58, %dot_general3A_74 : vector<2560x128xf32>
    %swap3A = arith.constant 0 : index
    %swap3A_76 = arith.constant 0 : index
    %swap3A_77 = vector.load %arg4[%swap3A, %swap3A_76] : memref<2560x128xf32, #tpu.memory_space<vmem>>, vector<2560x128xf32>
    tpu.vector_store %arg4[%swap3A, %swap3A_76], %add3A_75 {strides = array<i32>} : memref<2560x128xf32, #tpu.memory_space<vmem>>, vector<2560x128xf32>,
    return
  }
  func.func @transform_0(%arg0: i32) -> (i32, i32, i32) {
    %c0_i32 = arith.constant 0 : i32
    %c0_i32_0 = arith.constant 0 : i32
    %c0_i32_1 = arith.constant 0 : i32
    return %arg0, %c0_i32, %c0_i32_0 : i32, i32, i32
  }
  func.func @transform_1(%arg0: i32) -> (i32, i32) {
    %c0_i32 = arith.constant 0 : i32
    %c0_i32_0 = arith.constant 0 : i32
    %c0_i32_1 = arith.constant 0 : i32
    return %c0_i32, %c0_i32_0 : i32, i32
  }
  func.func @transform_2(%arg0: i32) -> (i32, i32) {
    %c0_i32 = arith.constant 0 : i32
    %c0_i32_0 = arith.constant 0 : i32
    %c0_i32_1 = arith.constant 0 : i32
    return %c0_i32, %c0_i32_0 : i32, i32
  }
  func.func @transform_3(%arg0: i32) -> (i32, i32) {
    %c0_i32 = arith.constant 0 : i32
    %c0_i32_0 = arith.constant 0 : i32
    return %arg0, %c0_i32 : i32, i32
  }
}

</mosaic_0001>

<sc_bundles>
// kernel: kernel.4.cloned.1.call-start
scs
__scs_entry_jumppad:
0x0: {  	(pc) =	sbr.rel $0x88, $3  }
0x1: {  	(tag) =	ssettag $0x0;
	lr =	simm.s32 $0x1  }
0x2: {  	[smem:$0x3F9D] =	sst lr;
	_ =	strace $0xD0000000  }
0x3: {  	_ = 	snop  }
0x4: {  	_ = 	snop  }
0x5: {  	_ = 	snop  }
0x6: {  	_ = 	snop  }
0x7: {  	_ = 	snop  }
__scs_overlays_trampoline_lowered:
0x8: {  	[smem:$0x3FAC] =	sst s0  }
0x9: {  	[smem:$0x3FAD] =	sst s1  }
0xa: {  	[smem:$0x3FAE] =	sst s2  }
0xb: {  	[smem:$0x3FAF] =	sst s3  }
0xc: {  	[smem:$0x3FB0] =	sst s4  }
0xd: {  	[smem:$0x3FB1] =	sst s5  }
0xe: {  	[smem:$0x3FB2] =	sst s6  }
0xf: {  	[smem:$0x3FB3] =	sst s7  }
0x10: {  	[smem:$0x3FB4] =	sst s8  }
0x11: {  	[smem:$0x3FB5] =	sst s9;
	s0 =	simm.s32 @!p0 $0x0  }
0x12: {  	s1 =	sld [smem:$0x3F9B];
	s0 =	simm.s32 @p0 $0x1  }
0x13: {  	[smem:$0x3FB6] =	sst s0;
	s0 =	simm.s32 @!p1 $0x0  }
0x14: {  	s2 =	sld [smem:$0x3F9A];
	s0 =	simm.s32 @p1 $0x1  }
0x15: {  	[smem:$0x3FB7] =	sst s0;
	s0 =	simm.s32 @!p2 $0x0  }
0x16: {  	s3 =	sld [smem:$0x3FDB];
	s0 =	simm.s32 @p2 $0x1  }
0x17: {  	s4 =	simm.s32 $0x1BF5;
	[smem:$0x3FB9] =	sst s0  }
0x18: {  	s0 =	sld [smem:$0x3F9C];
	_ =	swait.ge [sflag:s4], $0x0  }
0x19: {  	s7 =	sld [smem:$0x3F9D]  }
0x1a: {  	s8 =	sadd.s32 $0xFFFFE003, lr  }
0x1b: {  	s9 =	sadd.s32 $0xFFFFFEF7, lr;
	s5 =	simm.s32 $0xFFFFFFFF;
	p2 =	slt.u32 s8, $0xFFFFF086  }
0x1c: {  	p1 =	slt.u32 s9, $0xF7A;
	s5 =	simm.s32 @!p2 $0x0  }
0x1d: {  	s5 =	simm.s32 @p1 $0x1;
	p0 =	seq.s32 s7, s2  }
0x1e: {  	s7 =	smul.u32 @!p0 $0xF7A, s2;
	p2 =	seq.s32 @!p0 s5, $0x0  }
0x1f: {  	s9 =	smul.u32 $0xF7A, s1;
	s8 =	simm.s32 @!p0 $0x1BF5;
	p2 =	por !p2, p0  }
0x20: {  	[sflag:s8] =	ssyncset.s32 @!p0 $0xFFFFF086;
	s6 =	sadd.s32 @!p0 s3, s7;
	s7 =	simm.s32 @!p0 $0x108  }
0x21: {  	s3 =	sadd.s32 s3, s9;
	s6 =	sadd.s32 @!p0 $0x88, s6;
	s7 =	simm.s32 @p2 $0x1082  }
0x22: {  	[simem:s7], [sflag:s8] =	dma.local @!p0 [hbm:s6], $0xF7A  }
0x23: {  	s9 =	sor.u32 $0xD0000000, s2;
	s6 =	simm.s32 $0x108;
	_ =	swait.ge @!p0 [sflag:s8], $0x0  }
0x24: {  	s3 =	sadd.s32 $0x88, s3;
	s6 =	simm.s32 @!p1 $0x1082;
	[sflag:s4] =	ssyncset.s32 $0xFFFFF086  }
0x25: {  	[simem:s6], [sflag:s4] =	dma.local [hbm:s3], $0xF7A  }
0x26: {  	[smem:$0x3F9D] =	sst s1;
	(tag) =	ssettag s2;
	_ =	strace s9  }
0x27: {  	s1 =	sld [smem:$0x3FAD]  }
0x28: {  	s2 =	sld [smem:$0x3FAE]  }
0x29: {  	s4 =	sld [smem:$0x3FB0]  }
0x2a: {  	p0 =	seq.s32 s5, $0x0;
	s5 =	sld [smem:$0x3FB1]  }
0x2b: {  	s6 =	sld [smem:$0x3FB2]  }
0x2c: {  	s7 =	sld [smem:$0x3FB3]  }
0x2d: {  	s3 =	simm.s32 $0x108;
	s8 =	sld [smem:$0x3FB4]  }
0x2e: {  	s3 =	simm.s32 @!p0 $0x1082;
	s9 =	sld [smem:$0x3FB5]  }
0x2f: {  	lr =	sadd.s32 s0, s3;
	s0 =	sld [smem:$0x3FAC]  }
0x30: {  	s3 =	sld [smem:$0x3FAF]  }
0x31: {  	[smem:$0x3FB8] =	sst s10  }
0x32: {  	s10 =	sld [smem:$0x3FB6];
	_ =	sdelay $0x3  }
0x33: {  	p0 =	seq.s32 s10, $0x1;
	s10 =	sld [smem:$0x3FB8];
	_ =	sdelay $0x3  }
0x34: {  	[smem:$0x3FB8] =	sst s10  }
0x35: {  	s10 =	sld [smem:$0x3FB7];
	_ =	sdelay $0x3  }
0x36: {  	p1 =	seq.s32 s10, $0x1;
	s10 =	sld [smem:$0x3FB8];
	_ =	sdelay $0x3  }
0x37: {  	[smem:$0x3FB8] =	sst s10  }
0x38: {  	s10 =	sld [smem:$0x3FB9]  }
0x39: {  	_ = 	snop;
	(pc) =	sbr.ind lr, $3  }
0x3a: {  	_ = 	snop  }
0x3b: {  	_ = 	snop  }
0x3c: {  	p2 =	seq.s32 s10, $0x1;
	s10 =	sld [smem:$0x3FB8]  }
0x3d: {  	_ =	shalt  }
0x3e: {  	_ =	shalt  }
0x3f: {  	_ =	shalt  }
0x40: {  	_ =	shalt  }
0x41: {  	_ =	shalt  }
0x42: {  	_ =	shalt  }
0x43: {  	_ =	shalt  }
0x44: {  	_ =	shalt  }
0x45: {  	_ =	shalt  }
0x46: {  	_ =	shalt  }
0x47: {  	_ =	shalt  }
0x48: {  	_ =	shalt  }
0x49: {  	_ =	shalt  }
0x4a: {  	_ =	shalt  }
0x4b: {  	_ =	shalt  }
0x4c: {  	_ =	shalt  }
0x4d: {  	_ =	shalt  }
0x4e: {  	_ =	shalt  }
0x4f: {  	_ =	shalt  }
0x50: {  	_ =	shalt  }
0x51: {  	_ =	shalt  }
0x52: {  	_ =	shalt  }
0x53: {  	_ =	shalt  }
0x54: {  	_ =	shalt  }
0x55: {  	_ =	shalt  }
0x56: {  	_ =	shalt  }
0x57: {  	_ =	shalt  }
0x58: {  	_ =	shalt  }
0x59: {  	_ =	shalt  }
0x5a: {  	_ =	shalt  }
0x5b: {  	_ =	shalt  }
0x5c: {  	_ =	shalt  }
0x5d: {  	_ =	shalt  }
0x5e: {  	_ =	shalt  }
0x5f: {  	_ =	shalt  }
0x60: {  	_ =	shalt  }
0x61: {  	_ =	shalt  }
0x62: {  	_ =	shalt  }
0x63: {  	_ =	shalt  }
0x64: {  	_ =	shalt  }
0x65: {  	_ =	shalt  }
0x66: {  	_ =	shalt  }
0x67: {  	_ =	shalt  }
0x68: {  	_ =	shalt  }
0x69: {  	_ =	shalt  }
0x6a: {  	_ =	shalt  }
0x6b: {  	_ =	shalt  }
0x6c: {  	_ =	shalt  }
0x6d: {  	_ =	shalt  }
0x6e: {  	_ =	shalt  }
0x6f: {  	_ =	shalt  }
0x70: {  	_ =	shalt  }
0x71: {  	_ =	shalt  }
0x72: {  	_ =	shalt  }
0x73: {  	_ =	shalt  }
0x74: {  	_ =	shalt  }
0x75: {  	_ =	shalt  }
0x76: {  	_ =	shalt  }
0x77: {  	_ =	shalt  }
0x78: {  	_ =	shalt  }
0x79: {  	_ =	shalt  }
0x7a: {  	_ =	shalt  }
0x7b: {  	_ =	shalt  }
0x7c: {  	_ =	shalt  }
0x7d: {  	_ =	shalt  }
0x7e: {  	_ =	shalt  }
0x7f: {  	_ =	shalt  }
0x80: {  	_ =	shalt  }
0x81: {  	_ =	shalt  }
0x82: {  	_ =	shalt  }
0x83: {  	_ =	shalt  }
0x84: {  	_ =	shalt  }
0x85: {  	_ =	shalt  }
0x86: {  	_ =	shalt  }
0x87: {  	_ =	shalt  }
.Lfunc_end0:
.L_simem_size_0:
called_computation_lowered:
.L_overlay_start_0:
0x88: {  	s2 =	sld [smem:$0x3FD9]  }
0x89: {  	s3 =	sld [smem:$0x3FFE];
	_ =	sdelay $0x1  }
0x8a: {  	s1 =	srdreg.scid  }
0x8b: {  	s0 =	sand.u32 $0x1, s1  }
0x8c: {  	s17 =	sshll.u32 s0, $0xA;
	s2 =	sadd.s32 s3, s2  }
0x8d: {  	s2 =	sadd.s32 s2, s17  }
0x8e: {  	[smem:$0x3FC4] =	sst s2  }
0x8f: {  	_ = 	snop  }
0x90: {  	s2 =	sld [smem:$0x3FD0];
	(tm) =	ssettm $0x1  }
0x91: {  	s18 =	sld [smem:$0x3FFB];
	_ =	sdelay $0x3  }
0x92: {  	_ =	strace s18  }
0x93: {  	s3 =	sld [smem:$0x3FFC];
	_ =	sdelay $0x3  }
0x94: {  	_ =	strace s3  }
0x95: {  	s3 =	sld [smem:$0x3FFD];
	_ =	sdelay $0x3  }
0x96: {  	_ =	strace s3  }
0x97: {  	_ =	strace $0x8FFFFFFF  }
0x98: {  	s19 =	sld [smem:$0x3FDB];
	_ =	sdelay $0x1  }
0x99: {  	s4 =	simm.s32 $_scs_section_size  }
0x9a: {  	s5 =	simm.s32 $_size__tile_overlayer_lowered;
	s6 =	simm.s32 $_tile_overlayer_lowered  }
0x9b: {  	s22 =	simm.s32 $0x1BFF;
	s21 =	sshll.u32 s6, $0x1;
	s3 =	sadd.s32 s4, s19  }
0x9c: {  	s7 =	simm.s32 $0x0;
	s20 =	sshll.u32 s5, $0x1;
	s5 =	sadd.s32 s21, s3  }
0x9d: {  	[timem:s7], [sflag:s22] =	dma.local [hbm:s5], s20  }
0x9e: {  	_ =	swait.ge [sflag:s22], s20  }
0x9f: {  	s4 =	ssub.s32 $0x0, s20;
	[sflag:s22] =	ssyncset.done $0x0  }
0xa0: {  	[sflag:s22] =	ssyncadd.s32 s4;
	_ =	sdelay $0x1  }
0xa1: {  	s23 =	simm.s32 $0x1B8B  }
0xa2: {  	_ =	swait.ge [sflag:s23], $0x1  }
0xa3: {  	[sflag:s23] =	ssyncset.done $0x0  }
0xa4: {  	s25 =	simm.s32 $0x1B8E;
	s24 =	sld [smem:$0x3FFE];
	[sflag:s23] =	ssyncadd.s32 $0xFFFFFFFF  }
0xa5: {  	s26 =	simm.s32 $execute0_lowered;
	[smem:$0x3FD2] =	sst s25  }
0xa6: {  	s5 =	sshll.u32 s26, $0x1;
	_ =	strace $0x80000046;
	[dreg:$0x1] =	wrdreg $0xFFFFFFFF  }
0xa7: {  	s28 =	simm.s32 $_size_execute0_lowered;
	s3 =	sadd.s32 s3, s5;
	[dreg:$0x0] =	wrdreg $0x0  }
0xa8: {  	s5 =	sshll.u32 s28, $0x1;
	[dreg:$0x2] =	wrdreg s3  }
0xa9: {  	[dreg:$0x3] =	wrdreg s5  }
0xaa: {  	[dreg:$0x4] =	wrdreg $0xC0  }
0xab: {  	_ =	task [dreg:s7], $0x5FFFF  }
0xac: {  	[dreg:$0x1] =	wrdreg $0xFFFFFFFF  }
0xad: {  	[dreg:$0x0] =	wrdreg $0x60  }
0xae: {  	[dreg:$0x2] =	wrdreg s24  }
0xaf: {  	[dreg:$0x3] =	wrdreg s2  }
0xb0: {  	[dreg:$0x4] =	wrdreg $0x9  }
0xb1: {  	_ =	task.clear_ibuf [dreg:s7], $0x5FFFF;
	_ =	strace $0x90000046  }
0xb2: {  	s29 =	simm.s32 $0x9;
	_ =	strace $0x8000004F  }
0xb3: {  	_ =	swait.ge [sflag:s29], $0x1  }
0xb4: {  	[sflag:s29] =	ssyncadd.s32 $0xFFFFFFFF  }
0xb5: {  	_ =	strace $0x9000004F  }
0xb6: {  	_ =	sfence  }
0xb7: {  	s30 =	sld [smem:$0x0];
	_ =	sdelay $0x2  }
0xb8: {  	s31 =	sshll.u32 s1, $0xD;
	s1 =	sshrl.u32 s1, $0x2  }
0xb9: {  	s3 =	sand.u32 $0x4000, s31;
	s1 =	sadd.s32 s1, s30  }
0xba: {  	s0 =	sor.u32 s3, s0;
	s1 =	sshll.u32 s1, $0x11  }
0xbb: {  	s0 =	sor.u32 s1, s0  }
0xbc: {  	s0 =	sadd.s32 $0x8F2B, s0  }
0xbd: {  	[sflag:s0] =	ssyncadd.remote.s32 $0x1  }
0xbe: {  	_ =	sfence.sel $0xFFFF  }
0xbf: {  	[dreg:$0x0] =	wrdreg $0xFFFFFFFF;
	(pc) =	sbr.abs _section_cstart, $3  }
0xc0: {  	[dreg:$0x1] =	wrdreg $0xFFFFFFFF  }
0xc1: {  	_ =	task.clear_ibuf [dreg:s7], $0x2FFFF;
	_ =	strace $0x9FFFFFFF  }
0xc2: {  	(tm) =	ssettm $0x7FFFFFFF  }
0xc3: {  	_ =	shalt  }
tec
execute0_lowered:
.L_overlay_start_1:
0x0: {  	(tag) =	ssettag $0x1  }
0x1: {  	s3 =	rddreg [dreg:$0x0]  }
0x2: {  	s7 =	rddreg [dreg:$0x1];
	s2 =	srdreg.scid  }
0x3: {  	s0 =	rddreg [dreg:$0x2];
	s1 =	stileid.u32;
	s10 =	simm.s32 $0x10600  }
0x4: {  	s11 =	simm.s32 $0x10A00;
	s12 =	simm.s32 $0x1;
	s13 =	simm.s32 $0x3  }
0x5: {  	s14 =	simm.s32 $0x5;
	s15 =	simm.s32 $0x200;
	s16 =	simm.s32 $0x9  }
0x6: {  	s17 =	simm.s32 $0x10E00;
	s18 =	simm.s32 $0x7;
	s19 =	simm.s32 $0x0  }
0x7: {  	s4 =	sand.u32 $0x1, s2;
	s2 =	simm.s32 $0x0;
	s6 =	sshll.u32 s1, $0x6  }
0x8: {  	s5 =	sshll.u32 s4, $0xA;
	[smem:$0x7FF] =	sst s2;
	s4 =	ssub.s32 $0x2, s4  }
0x9: {  	s8 =	sor.u32 s6, s5;
	_ =	strace $0x80000047;
	s31 =	sshrl.u32 s4, $0x1  }
0xa: {  	s6 =	sadd.s32 s8, s3;
	s3 =	sadd.s32 $0x2000, s3;
	s9 =	ssub.s32 s4, s31  }
0xb: {  	v0 =	vlaneseq.u32;
	s7 =	sadd.s32 s7, s8;
	s4 =	sadd.s32 $0x1800, s6;
	s5 =	sadd.s32 $0x1000, s6  }
0xc: {  	v0 =	vmul.u32 $0x80, v0;
	s6 =	sadd.s32 $0x800, s6;
	s8 =	smax.u32 s9, $0x1;
	s9 =	simm.s32 $0x10200  }
.LBB2_1:
0xd: {  	_ =	strace $0x80000048  }
0xe: {  	[tilespmem:s9], [sflag:$0x1] =	stream.linear.gather [hbm4b:s4+s2], $0x200, $0x200038;
	[tilespmem:$0x11200] =	vst v63  }
0xf: {  	_ = 	snop  }
0x10: {  	[tilespmem:s10], [sflag:$0x3] =	stream.linear.gather [hbm4b:s5+s2], $0x200, $0x200038;
	[tilespmem:$0x11200] =	vst v63  }
0x11: {  	_ = 	snop  }
0x12: {  	[tilespmem:s11], [sflag:$0x5] =	stream.linear.gather [hbm4b:s6+s2], $0x200, $0x200038;
	[tilespmem:$0x11200] =	vst v63  }
0x13: {  	_ =	strace $0x90000048  }
0x14: {  	_ =	strace $0x80000049  }
0x15: {  	_ =	swait.ge [sflag:s12], $0x200  }
0x16: {  	[sflag:s12] =	ssyncset.done $0x0  }
0x17: {  	[sflag:s12] =	ssyncadd.s32 $0xFFFFFE00  }
0x18: {  	_ =	strace $0x90000049  }
0x19: {  	_ =	strace $0x8000004A  }
0x1a: {  	_ =	swait.ge [sflag:s13], $0x200  }
0x1b: {  	[sflag:s13] =	ssyncset.done $0x0  }
0x1c: {  	[sflag:s13] =	ssyncadd.s32 $0xFFFFFE00  }
0x1d: {  	_ =	strace $0x9000004A  }
0x1e: {  	_ =	strace $0x8000004B  }
0x1f: {  	_ =	swait.ge [sflag:s14], $0x200  }
0x20: {  	[sflag:s14] =	ssyncset.done $0x0  }
0x21: {  	[sflag:s14] =	ssyncadd.s32 $0xFFFFFE00  }
0x22: {  	_ =	strace $0x9000004B  }
0x23: {  	s20 =	simm.s32 $0x0;
	_ =	strace $0x8000004C  }
0x24: {  	v1 =	vld [tilespmem:s20+$0x10200]  }
0x25: {  	s21 =	simm.s32 $0x40;
	v2 =	vld [tilespmem:s20+$0x10600]  }
.LBB2_2:
0x26: {  	p0 =	sne.s32 s21, $0x7C0  }
.Ltmp0:
0x27: {  	_ = 	snop;
	(pc) =	sbr.rel @p0 .LBB2_2-.Ltmp0, $4  }
0x28: {  	_ = 	snop  }
0x29: {  	s22 =	sshra.s32 s21, $0x2;
	s21 =	sadd.s32 $0x40, s21;
	v3 =	vshll.u32 v1, $0x7  }
0x2a: {  	v1 =	vld [tilespmem:s22+$0x10200];
	v3 =	vadd.s32 v2, v3  }
0x2b: {  	v2 =	vld [tilespmem:s22+$0x10600];
	[tilespmem:s20+$0x0] =	vst v3;
	s20 =	smov.u32 s22  }
0x2c: {  	_ =	sdelay $0x2  }
0x2d: {  	v1 =	vshll.u32 v1, $0x7  }
0x2e: {  	v1 =	vadd.s32 v2, v1  }
0x2f: {  	s31 =	simm.s32 $0x0;
	[tilespmem:s20+$0x0] =	vst v1  }
0x30: {  	[tilespmem:s15], [sflag:$0x9] =	stream.indirect.gather [hbm4b:s3+s15], $0x80, s31, s15, $0x2000b8;
	[tilespmem:$0x11200] =	vst v63  }
0x31: {  	_ =	swait.ge [sflag:s16], $0x10000  }
0x32: {  	[sflag:s16] =	ssyncset.done $0x0  }
0x33: {  	s21 =	simm.s32 $0x10A00;
	[sflag:s16] =	ssyncadd.s32 $0xFFFF0000  }
0x34: {  	v1 =	vld [tilespmem:s21+$0x0];
	_ =	sdelay $0x2  }
0x35: {  	v2 =	vmov s31  }
0x36: {  	v2 =	vshll.u32 v2, $0x7  }
0x37: {  	v2 =	vor.u32 v0, v2;
	v3 =	vand.u32 $0xFFFFFF80, v1  }
0x38: {  	v1 =	vand.u32 $0x7F, v1;
	v2 =	vadd.s32 v2, v3  }
0x39: {  	v1 =	vor.u32 v1, v2;
	_ =	sdelay $0x4  }
0x3a: {  	v1 =	vld.idx.msk [tilespmem:v1+s15+$0x0], $0xffff;
	_ =	sdelay $0x3  }
0x3b: {  	s20 =	simm.s32 $0x10E00  }
0x3c: {  	s21 =	simm.s32 $0x10A10;
	[tilespmem:s20+$0x0] =	vst v1  }
0x3d: {  	s22 =	simm.s32 $0x10;
	s23 =	simm.s32 $0x20;
	v1 =	vld [tilespmem:s21+$0x0]  }
.LBB2_4:
0x3e: {  	p0 =	sne.s32 s23, $0x1F0;
	_ =	sdelay $0x1  }
0x3f: {  	v2 =	vmov s22;
	s22 =	smov.u32 s23  }
0x40: {  	v2 =	vshll.u32 v2, $0x7  }
0x41: {  	v2 =	vor.u32 v0, v2;
	v3 =	vand.u32 $0xFFFFFF80, v1  }
0x42: {  	v1 =	vand.u32 $0x7F, v1;
	v2 =	vadd.s32 v2, v3  }
0x43: {  	v1 =	vor.u32 v1, v2;
	_ =	sdelay $0x4  }
0x44: {  	v1 =	vld.idx.msk [tilespmem:v1+s15+$0x0], $0xffff;
	_ =	sdelay $0x2  }
.Ltmp1:
0x45: {  	(pc) =	sbr.rel @p0 .LBB2_4-.Ltmp1, $4  }
0x46: {  	_ = 	snop  }
0x47: {  	s20 =	sadd.s32 $0x10, s20  }
0x48: {  	s21 =	sadd.s32 $0x10, s21;
	[tilespmem:s20+$0x0] =	vst v1  }
0x49: {  	s23 =	sadd.s32 $0x10, s23;
	v1 =	vld [tilespmem:s21+$0x0]  }
0x4a: {  	_ =	sdelay $0x1  }
0x4b: {  	v2 =	vmov s22  }
0x4c: {  	v2 =	vshll.u32 v2, $0x7  }
0x4d: {  	v2 =	vor.u32 v0, v2;
	v3 =	vand.u32 $0xFFFFFF80, v1  }
0x4e: {  	v1 =	vand.u32 $0x7F, v1;
	v2 =	vadd.s32 v2, v3  }
0x4f: {  	v1 =	vor.u32 v1, v2;
	_ =	sdelay $0x4  }
0x50: {  	v1 =	vld.idx.msk [tilespmem:v1+s15+$0x0], $0xffff;
	_ =	sdelay $0x3  }
0x51: {  	s20 =	sadd.s32 $0x10, s20  }
0x52: {  	[tilespmem:s20+$0x0] =	vst v1  }
0x53: {  	_ =	strace $0x9000004C  }
0x54: {  	s19 =	sadd.s32 $0x1, s19;
	_ =	strace $0x8000004D  }
0x55: {  	[hbm4b:s7+s2] =	stream.linear.scatter [tilespmem:s17], [sflag:$0x7], $0x200, $0x200038;
	[tilespmem:$0x11200] =	vst v63  }
0x56: {  	p0 =	sne.s32 s19, s8;
	_ =	strace $0x9000004D  }
.Ltmp2:
0x57: {  	_ =	strace $0x8000004E;
	(pc) =	sbr.rel @p0 .LBB2_1-.Ltmp2, $4  }
0x58: {  	_ =	swait.ge [sflag:s18], $0x200  }
0x59: {  	[sflag:s18] =	ssyncset.done $0x0  }
0x5a: {  	[sflag:s18] =	ssyncadd.s32 $0xFFFFFE00  }
0x5b: {  	_ =	strace $0x9000004E  }
0x5c: {  	_ =	sfence.sel $0x180000  }
0x5d: {  	[bflag:$0x0] =	sbarrier.arrive $0xFFFF  }
0x5e: {  	p0 =	sne.s32 s1, $0x0;
	_ =	strace $0x90000047  }
0x5f: {  	s0 =	sadd.s32 @!p0 $0x100000, s0;
	[bflag:$0x2] =	sbarrier.arrive $0xFFFF  }
0x60: {  	[sflag:s0] =	ssyncadd.tile.s32 @!p0 $0x1;
	_ =	shalt  }
.Lfunc_end2:
_tile_overlayer_lowered:
.L_overlay_start_2:
0x61: {  	(tag) =	ssettag $0x2  }
0x62: {  	s0 =	rddreg [dreg:$0x0];
	s2 =	stileid.u32  }
0x63: {  	s1 =	rddreg [dreg:$0x1];
	p0 =	sne.s32 s2, $0x0  }
0x64: {  	s3 =	rddreg [dreg:$0x2];
	[bflag:$0x3] =	sbarrier.arrive $0xFFFF;
	s2 =	simm.s32 @!p0 $0x1C01  }
0x65: {  	[timem:s3], [sflag:s2] =	dma.local @!p0 [hbm:s0], s1  }
0x66: {  	s0 =	simm.s32 @!p0 $0x1  }
0x67: {  	_ =	swait.ge @!p0 [sflag:s0], s1  }
0x68: {  	s1 =	ssub.s32 @!p0 $0x0, s1;
	[sflag:s0] =	ssyncset.done @!p0 $0x0  }
0x69: {  	[sflag:s0] =	ssyncadd.s32 @!p0 s1  }
0x6a: {  	[bflag:$0x3] =	sbarrier.arrive $0xFFFF  }
0x6b: {  	_ =	shalt  }

</sc_bundles>
